<compile_context>
chip_gen: v7x
topology: tpu7x:2x2x1
jax: 0.10.2.dev20260603
libtpu: 0.0.44.dev20260713+nightly
codegen_flags: <defaults>
</compile_context>

<pallas_src>
import functools

import jax
import jax.numpy as jnp
from jax import lax
from jax.experimental import pallas as pl
from jax.experimental.pallas import tpu as pltpu
from jax.experimental.pallas import tpu_sc as plsc

N = 10000
E = 320000
D_IN = 128
D_HID = 128
D_OUT = 64

NC = 2
NS = 16
NW = NC * NS
EPT = E // NW
RPT = 632
N_PAD = RPT * NS

RB = 5000


def _make_agg(D, B):
  CH = EPT // B
  mesh = plsc.VectorSubcoreMesh(core_axis_name="c", subcore_axis_name="s")

  @functools.partial(
      pl.kernel,
      out_type=jax.ShapeDtypeStruct((NC, N_PAD, D), jnp.float32),
      mesh=mesh,
      compiler_params=pltpu.CompilerParams(use_tc_tiling_on_sc=False),
      scratch_types=[
          pltpu.VMEM((CH, B), jnp.int32),
          pltpu.VMEM((CH, B), jnp.int32),
          pltpu.VMEM((B, D), jnp.float32),
          pltpu.VMEM((B, D), jnp.float32),
          pltpu.VMEM_SHARED((N_PAD, D), jnp.float32),
          pltpu.SemaphoreType.DMA,
          pltpu.SemaphoreType.DMA,
      ],
  )
  def agg(feat_hbm, src_hbm, dst_hbm, zeros_hbm, out_hbm,
          src_v, dst_v, rows0, rows1, acc_sh, sem0, sem1):
    cid = lax.axis_index("c")
    tid = lax.axis_index("s")
    wid = tid * NC + cid
    pltpu.sync_copy(zeros_hbm, acc_sh.at[pl.ds(tid * RPT, RPT)])
    pltpu.sync_copy(src_hbm.at[wid], src_v)
    pltpu.sync_copy(dst_hbm.at[wid], dst_v)
    plsc.subcore_barrier()

    pltpu.async_copy(feat_hbm.at[src_v.at[0]], rows0, sem0)

    def body(g, carry):
      j0 = 2 * g
      j1 = j0 + 1
      pltpu.async_copy(feat_hbm.at[src_v.at[j1]], rows1, sem1)
      pltpu.make_async_copy(feat_hbm.at[pl.ds(0, B)], rows0, sem0).wait()
      pltpu.sync_copy(rows0, acc_sh.at[dst_v.at[j0]], add=True)
      j2 = jnp.minimum(j1 + 1, CH - 1)
      pltpu.async_copy(feat_hbm.at[src_v.at[j2]], rows0, sem0)
      pltpu.make_async_copy(feat_hbm.at[pl.ds(0, B)], rows1, sem1).wait()
      pltpu.sync_copy(rows1, acc_sh.at[dst_v.at[j1]], add=True)
      return carry

    lax.fori_loop(0, CH // 2, body, 0, unroll=False)
    pltpu.make_async_copy(feat_hbm.at[pl.ds(0, B)], rows0, sem0).wait()
    plsc.subcore_barrier()
    pltpu.sync_copy(acc_sh.at[pl.ds(tid * RPT, RPT)],
                    out_hbm.at[cid, pl.ds(tid * RPT, RPT)])

  return agg


def _make_agg_dbi(D, B):
  CH = EPT // B
  mesh = plsc.VectorSubcoreMesh(core_axis_name="c", subcore_axis_name="s")

  @functools.partial(
      pl.kernel,
      out_type=jax.ShapeDtypeStruct((NC, N_PAD, D), jnp.float32),
      mesh=mesh,
      compiler_params=pltpu.CompilerParams(use_tc_tiling_on_sc=False),
      scratch_types=[
          pltpu.VMEM((2, B), jnp.int32),
          pltpu.VMEM((2, B), jnp.int32),
          pltpu.VMEM((B, D), jnp.float32),
          pltpu.VMEM((B, D), jnp.float32),
          pltpu.VMEM_SHARED((N_PAD, D), jnp.float32),
          pltpu.SemaphoreType.DMA,
          pltpu.SemaphoreType.DMA,
          pltpu.SemaphoreType.DMA,
          pltpu.SemaphoreType.DMA,
          pltpu.SemaphoreType.DMA,
          pltpu.SemaphoreType.DMA,
      ],
  )
  def agg(feat_hbm, src_hbm, dst_hbm, zeros_hbm, out_hbm,
          src2, dst2, rows0, rows1, acc_sh,
          sem0, sem1, isem0, isem1, dsem0, dsem1):
    cid = lax.axis_index("c")
    tid = lax.axis_index("s")
    wid = tid * NC + cid
    pltpu.sync_copy(zeros_hbm, acc_sh.at[pl.ds(tid * RPT, RPT)])
    plsc.subcore_barrier()

    pltpu.sync_copy(src_hbm.at[wid, 0], src2.at[0])
    pltpu.async_copy(feat_hbm.at[src2.at[0]], rows0, sem0)
    pltpu.async_copy(src_hbm.at[wid, 1], src2.at[1], isem1)
    pltpu.async_copy(dst_hbm.at[wid, 0], dst2.at[0], dsem0)
    pltpu.async_copy(dst_hbm.at[wid, 1], dst2.at[1], dsem1)

    def _wait_idx(sem):
      pltpu.make_async_copy(src_hbm.at[0, 0], src2.at[0], sem).wait()

    def body(g, carry):
      j0 = 2 * g
      j1 = j0 + 1
      j2 = jnp.minimum(j0 + 2, CH - 1)
      j3 = jnp.minimum(j1 + 2, CH - 1)
      _wait_idx(isem1)
      pltpu.async_copy(feat_hbm.at[src2.at[1]], rows1, sem1)
      pltpu.make_async_copy(feat_hbm.at[pl.ds(0, B)], rows0, sem0).wait()
      pltpu.async_copy(src_hbm.at[wid, j2], src2.at[0], isem0)
      _wait_idx(dsem0)
      pltpu.sync_copy(rows0, acc_sh.at[dst2.at[0]], add=True)
      pltpu.async_copy(dst_hbm.at[wid, j2], dst2.at[0], dsem0)
      _wait_idx(isem0)
      pltpu.async_copy(feat_hbm.at[src2.at[0]], rows0, sem0)
      pltpu.make_async_copy(feat_hbm.at[pl.ds(0, B)], rows1, sem1).wait()
      pltpu.async_copy(src_hbm.at[wid, j3], src2.at[1], isem1)
      _wait_idx(dsem1)
      pltpu.sync_copy(rows1, acc_sh.at[dst2.at[1]], add=True)
      pltpu.async_copy(dst_hbm.at[wid, j3], dst2.at[1], dsem1)
      return carry

    lax.fori_loop(0, CH // 2, body, 0, unroll=False)
    pltpu.make_async_copy(feat_hbm.at[pl.ds(0, B)], rows0, sem0).wait()
    _wait_idx(isem1)
    _wait_idx(dsem0)
    _wait_idx(dsem1)
    plsc.subcore_barrier()
    pltpu.sync_copy(acc_sh.at[pl.ds(tid * RPT, RPT)],
                    out_hbm.at[cid, pl.ds(tid * RPT, RPT)])

  return agg


D_DEG = 16


def _make_deg(B):
  CH = EPT // B
  mesh = plsc.VectorSubcoreMesh(core_axis_name="c", subcore_axis_name="s")

  @functools.partial(
      pl.kernel,
      out_type=jax.ShapeDtypeStruct((NC, N_PAD, D_DEG), jnp.float32),
      mesh=mesh,
      compiler_params=pltpu.CompilerParams(use_tc_tiling_on_sc=False),
      scratch_types=[
          pltpu.VMEM((CH, B), jnp.int32),
          pltpu.VMEM((B, D_DEG), jnp.float32),
          pltpu.VMEM_SHARED((N_PAD, D_DEG), jnp.float32),
      ],
  )
  def deg(ones_hbm, dst_hbm, zeros_hbm, out_hbm, dst_v, ones_v, acc_sh):
    cid = lax.axis_index("c")
    tid = lax.axis_index("s")
    wid = tid * NC + cid
    pltpu.sync_copy(zeros_hbm, acc_sh.at[pl.ds(tid * RPT, RPT)])
    pltpu.sync_copy(dst_hbm.at[wid], dst_v)
    pltpu.sync_copy(ones_hbm, ones_v)
    plsc.subcore_barrier()

    def body(j, carry):
      pltpu.sync_copy(ones_v, acc_sh.at[dst_v.at[j]], add=True)
      return carry

    lax.fori_loop(0, CH, body, 0, unroll=False)
    plsc.subcore_barrier()
    pltpu.sync_copy(acc_sh.at[pl.ds(tid * RPT, RPT)],
                    out_hbm.at[cid, pl.ds(tid * RPT, RPT)])

  return deg


B128 = 125
B64 = 125
BDEG = 125

_agg_deg = _make_deg(BDEG)
_agg128 = _make_agg_dbi(D_HID, B128)
_agg64 = _make_agg(D_OUT, B64)


def _l1_body(d0, d1, x, w1, hp, dis):
  deg = d0[...] + d1[...] + 1.0
  s = lax.rsqrt(jnp.max(deg, axis=1, keepdims=True))
  dis[...] = s
  h = jnp.dot(x[...], w1[...], preferred_element_type=jnp.float32)
  hp[...] = s * h


def _l1(x, w1, d0, d1):
  return pl.pallas_call(
      _l1_body,
      grid=(N // RB,),
      in_specs=[
          pl.BlockSpec((RB, D_DEG), lambda i: (i, 0)),
          pl.BlockSpec((RB, D_DEG), lambda i: (i, 0)),
          pl.BlockSpec((RB, D_IN), lambda i: (i, 0)),
          pl.BlockSpec((D_IN, D_HID), lambda i: (0, 0)),
      ],
      out_specs=[
          pl.BlockSpec((RB, D_HID), lambda i: (i, 0)),
          pl.BlockSpec((RB, 1), lambda i: (i, 0)),
      ],
      out_shape=[
          jax.ShapeDtypeStruct((N, D_HID), jnp.float32),
          jax.ShapeDtypeStruct((N, 1), jnp.float32),
      ],
  )(d0, d1, x, w1)


def _l2_body(a0, a1, hp1, dis, b1, w2, hp2):
  s = dis[...]
  z = jnp.maximum(s * (a0[...] + a1[...] + hp1[...]) + b1[...], 0.0)
  hp2[...] = s * jnp.dot(z, w2[...], preferred_element_type=jnp.float32)


def _l2(a0, a1, hp1, dis, b1, w2):
  return pl.pallas_call(
      _l2_body,
      grid=(N // RB,),
      in_specs=[
          pl.BlockSpec((RB, D_HID), lambda i: (i, 0)),
          pl.BlockSpec((RB, D_HID), lambda i: (i, 0)),
          pl.BlockSpec((RB, D_HID), lambda i: (i, 0)),
          pl.BlockSpec((RB, 1), lambda i: (i, 0)),
          pl.BlockSpec((1, D_HID), lambda i: (0, 0)),
          pl.BlockSpec((D_HID, D_OUT), lambda i: (0, 0)),
      ],
      out_specs=pl.BlockSpec((RB, D_OUT), lambda i: (i, 0)),
      out_shape=jax.ShapeDtypeStruct((N, D_OUT), jnp.float32),
  )(a0, a1, hp1, dis, b1, w2)


def _fin_body(a0, a1, hp2, dis, b2, o):
  o[...] = dis[...] * (a0[...] + a1[...] + hp2[...]) + b2[...]


def _fin(a0, a1, hp2, dis, b2):
  return pl.pallas_call(
      _fin_body,
      grid=(N // RB,),
      in_specs=[
          pl.BlockSpec((RB, D_OUT), lambda i: (i, 0)),
          pl.BlockSpec((RB, D_OUT), lambda i: (i, 0)),
          pl.BlockSpec((RB, D_OUT), lambda i: (i, 0)),
          pl.BlockSpec((RB, 1), lambda i: (i, 0)),
          pl.BlockSpec((1, D_OUT), lambda i: (0, 0)),
      ],
      out_specs=pl.BlockSpec((RB, D_OUT), lambda i: (i, 0)),
      out_shape=jax.ShapeDtypeStruct((N, D_OUT), jnp.float32),
  )(a0, a1, hp2, dis, b2)


def kernel(x, edge_index, W1, b1, W2, b2):
  src_a = edge_index[0].reshape(NW, EPT // B128, B128)
  dst_a = edge_index[1].reshape(NW, EPT // B128, B128)
  src_b = edge_index[0].reshape(NW, EPT // B64, B64)
  dst_b = edge_index[1].reshape(NW, EPT // B64, B64)
  dst_d = edge_index[1].reshape(NW, EPT // BDEG, BDEG)
  ones = jnp.ones((BDEG, D_DEG), jnp.float32)
  z1 = jnp.zeros((RPT, D_DEG), jnp.float32)
  z128 = jnp.zeros((RPT, D_HID), jnp.float32)
  z64 = jnp.zeros((RPT, D_OUT), jnp.float32)

  degp = _agg_deg(ones, dst_d, z1)
  hp1, dis = _l1(x, W1, degp[0, :N], degp[1, :N])
  a1 = _agg128(hp1, src_a, dst_a, z128)
  hp2 = _l2(a1[0, :N], a1[1, :N], hp1, dis, b1.reshape(1, -1), W2)
  a2 = _agg64(hp2, src_b, dst_b, z64)
  return _fin(a2[0, :N], a2[1, :N], hp2, dis, b2.reshape(1, -1))

# --- scband reference (transcript-rebuilt; emitter-appended) ---
"""Pipeline reference for scband-gcnmodel-15401752723911 (READ-ONLY COPY).

The authoritative reference and input builder live on the scoring server;
editing this copy changes nothing except your own understanding.
"""

import jax, jax.numpy as jnp
import numpy as np

N = 10000
E = 320000
D_IN = 128
D_HID = 128
D_OUT = 64


def gcn_conv(x, edge_index, W, b):
    num_nodes = x.shape[0]
    src = edge_index[0]
    dst = edge_index[1]
    # add self loops (PyG GCNConv default add_self_loops=True)
    loop = jnp.arange(num_nodes, dtype=src.dtype)
    src = jnp.concatenate([src, loop])
    dst = jnp.concatenate([dst, loop])
    # symmetric normalization: D^{-1/2} (A + I) D^{-1/2}
    deg = jnp.zeros((num_nodes,), dtype=x.dtype).at[dst].add(1.0)
    deg_inv_sqrt = jnp.where(deg > 0, jax.lax.rsqrt(jnp.maximum(deg, 1e-12)), 0.0)
    norm = deg_inv_sqrt[src] * deg_inv_sqrt[dst]
    # linear transform then propagate (message = norm * h[src], aggr = sum at dst)
    h = x @ W
    msg = h[src] * norm[:, None]
    out = jax.ops.segment_sum(msg, dst, num_segments=num_nodes)
    return out + b


def setup_inputs(seed: int = 0) -> dict:
    key = jax.random.key(seed)
    k1, k2, k3, k4, k5, k6 = jax.random.split(key, 6)
    x = jax.random.normal(k1, (N, D_IN), dtype=jnp.float32)
    edge_index = jax.random.randint(k2, (2, E), 0, N, dtype=jnp.int32)
    W1 = jax.random.normal(k3, (D_IN, D_HID), dtype=jnp.float32) * (1.0 / np.sqrt(D_IN))
    b1 = jnp.zeros((D_HID,), dtype=jnp.float32)
    W2 = jax.random.normal(k4, (D_HID, D_OUT), dtype=jnp.float32) * (1.0 / np.sqrt(D_HID))
    b2 = jnp.zeros((D_OUT,), dtype=jnp.float32)
    return {"x": x, "edge_index": edge_index, "W1": W1, "b1": b1, "W2": W2, "b2": b2}


def reference(x, edge_index, W1, b1, W2, b2):
    h = gcn_conv(x, edge_index, W1, b1)
    h = jax.nn.relu(h)
    out = gcn_conv(h, edge_index, W2, b2)
    return out

if __name__ == "__main__":
    import jax
    _d = setup_inputs()
    print(jax.jit(kernel)(*tuple(_d.values())))

</pallas_src>

<mosaic_0001>
#map = affine_map<(d0, d1) -> (0, 0)>
#map1 = affine_map<(d0, d1) -> (0, 0, 0)>
module attributes {stable_mosaic.version = 14 : i64} {
  func.func @agg(%arg0: i32, %arg1: i32, %arg2: memref<10000x128xf32, #tpu.memory_space<hbm>>, %arg3: memref<32x80x125xi32, #tpu.memory_space<hbm>>, %arg4: memref<32x80x125xi32, #tpu.memory_space<hbm>>, %arg5: memref<632x128xf32, #tpu.memory_space<hbm>>, %arg6: memref<2x10112x128xf32, #tpu.memory_space<hbm>>, %arg7: memref<2x125xi32, #tpu.memory_space<vmem>>, %arg8: memref<2x125xi32, #tpu.memory_space<vmem>>, %arg9: memref<125x128xf32, #tpu.memory_space<vmem>>, %arg10: memref<125x128xf32, #tpu.memory_space<vmem>>, %arg11: memref<10112x128xf32, #tpu.memory_space<vmem_shared>>, %arg12: memref<!tpu.dma_semaphore, #tpu.memory_space<semaphore_mem>>, %arg13: memref<!tpu.dma_semaphore, #tpu.memory_space<semaphore_mem>>, %arg14: memref<!tpu.dma_semaphore, #tpu.memory_space<semaphore_mem>>, %arg15: memref<!tpu.dma_semaphore, #tpu.memory_space<semaphore_mem>>, %arg16: memref<!tpu.dma_semaphore, #tpu.memory_space<semaphore_mem>>, %arg17: memref<!tpu.dma_semaphore, #tpu.memory_space<semaphore_mem>>) attributes {dimension_semantics = [#tpu.dimension_semantics<core_parallel>, #tpu.dimension_semantics<subcore_parallel>], iteration_bounds = array<i64: 2, 16>, scalar_prefetch = 0 : i64, scratch_operands = 11 : i64, tpu.core_type = #tpu.core_type<sc_vector_subcore>, window_params = [{transform_indices = #map}, {transform_indices = #map1}, {transform_indices = #map1}, {transform_indices = #map}, {transform_indices = #map1}]} {
    %mul3A = arith.constant 2 : i32
    %mul3A_0 = arith.muli %arg1, %mul3A : i32
    %add3A = arith.addi %mul3A_0, %arg0 : i32
    %mul3A_1 = arith.constant 632 : i32
    %mul3A_2 = arith.muli %arg1, %mul3A_1 : i32
    "tpu.region"() ({
      %run_scoped3A_112 = tpu.sem_alloc : memref<!tpu.dma_semaphore, #tpu.memory_space<semaphore_mem>>
      %dma_start3A_113 = arith.constant 0 : i32
      %dma_start3A_114 = tpu.memref_slice %arg11[%mul3A_2, %dma_start3A_113] : memref<10112x128xf32, #tpu.memory_space<vmem_shared>> -> memref<632x128xf32, #tpu.memory_space<vmem_shared>>
      tpu.enqueue_dma source(%arg5 : memref<632x128xf32, #tpu.memory_space<hbm>>) target(%dma_start3A_114 : memref<632x128xf32, #tpu.memory_space<vmem_shared>>) target_semaphore(%run_scoped3A_112 : memref<!tpu.dma_semaphore, #tpu.memory_space<semaphore_mem>>)
      %dma_wait3A_115 = arith.constant 0 : i32
      %dma_wait3A_116 = tpu.memref_slice %arg11[%mul3A_2, %dma_wait3A_115] : memref<10112x128xf32, #tpu.memory_space<vmem_shared>> -> memref<632x128xf32, #tpu.memory_space<vmem_shared>>
      tpu.wait_dma2 semaphore(%run_scoped3A_112 : memref<!tpu.dma_semaphore, #tpu.memory_space<semaphore_mem>>) src(%arg5 : memref<632x128xf32, #tpu.memory_space<hbm>>) dst(%dma_wait3A_116 : memref<632x128xf32, #tpu.memory_space<vmem_shared>>)
      tpu.yield
    }) : () -> ()
    %barrier3A = arith.constant 0 : index
    tpu.barrier barrier_id(%barrier3A)
    %run_scoped3A = arith.constant 0 : i32
    %run_scoped3A_3 = arith.constant 0 : i32
    "tpu.region"() ({
      %run_scoped3A_112 = tpu.sem_alloc : memref<!tpu.dma_semaphore, #tpu.memory_space<semaphore_mem>>
      %dma_start3A_113 = arith.constant 0 : i32
      %dma_start3A_114 = tpu.memref_slice %arg7[%run_scoped3A_3, %dma_start3A_113] : memref<2x125xi32, #tpu.memory_space<vmem>> -> memref<1x125xi32, #tpu.memory_space<vmem>>
      %dma_start3A_115 = tpu.memref_squeeze %dma_start3A_114 : memref<1x125xi32, #tpu.memory_space<vmem>> -> memref<125xi32, #tpu.memory_space<vmem>>
      %dma_start3A_116 = arith.constant 0 : i32
      %dma_start3A_117 = tpu.memref_slice %arg3[%add3A, %run_scoped3A, %dma_start3A_116] : memref<32x80x125xi32, #tpu.memory_space<hbm>> -> memref<1x1x125xi32, #tpu.memory_space<hbm>>
      %dma_start3A_118 = tpu.memref_squeeze %dma_start3A_117 : memref<1x1x125xi32, #tpu.memory_space<hbm>> -> memref<125xi32, #tpu.memory_space<hbm>>
      %dma_start3A_119 = arith.constant 0 : i32
      %dma_start3A_120 = tpu.memref_slice %arg7[%run_scoped3A_3, %dma_start3A_119] : memref<2x125xi32, #tpu.memory_space<vmem>> -> memref<1x125xi32, #tpu.memory_space<vmem>>
      %dma_start3A_121 = tpu.memref_squeeze %dma_start3A_120 : memref<1x125xi32, #tpu.memory_space<vmem>> -> memref<125xi32, #tpu.memory_space<vmem>>
      %dma_start3A_122 = arith.constant 0 : i32
      %dma_start3A_123 = tpu.memref_slice %arg3[%add3A, %run_scoped3A, %dma_start3A_122] : memref<32x80x125xi32, #tpu.memory_space<hbm>> -> memref<1x1x125xi32, #tpu.memory_space<hbm>>
      %dma_start3A_124 = tpu.memref_squeeze %dma_start3A_123 : memref<1x1x125xi32, #tpu.memory_space<hbm>> -> memref<125xi32, #tpu.memory_space<hbm>>
      tpu.enqueue_dma source(%dma_start3A_124 : memref<125xi32, #tpu.memory_space<hbm>>) target(%dma_start3A_121 : memref<125xi32, #tpu.memory_space<vmem>>) target_semaphore(%run_scoped3A_112 : memref<!tpu.dma_semaphore, #tpu.memory_space<semaphore_mem>>)
      %dma_wait3A_125 = arith.constant 0 : i32
      %dma_wait3A_126 = tpu.memref_slice %arg7[%run_scoped3A_3, %dma_wait3A_125] : memref<2x125xi32, #tpu.memory_space<vmem>> -> memref<1x125xi32, #tpu.memory_space<vmem>>
      %dma_wait3A_127 = tpu.memref_squeeze %dma_wait3A_126 : memref<1x125xi32, #tpu.memory_space<vmem>> -> memref<125xi32, #tpu.memory_space<vmem>>
      %dma_wait3A_128 = arith.constant 0 : i32
      %dma_wait3A_129 = tpu.memref_slice %arg3[%add3A, %run_scoped3A, %dma_wait3A_128] : memref<32x80x125xi32, #tpu.memory_space<hbm>> -> memref<1x1x125xi32, #tpu.memory_space<hbm>>
      %dma_wait3A_130 = tpu.memref_squeeze %dma_wait3A_129 : memref<1x1x125xi32, #tpu.memory_space<hbm>> -> memref<125xi32, #tpu.memory_space<hbm>>
      %dma_wait3A_131 = arith.constant 0 : i32
      %dma_wait3A_132 = tpu.memref_slice %arg7[%run_scoped3A_3, %dma_wait3A_131] : memref<2x125xi32, #tpu.memory_space<vmem>> -> memref<1x125xi32, #tpu.memory_space<vmem>>
      %dma_wait3A_133 = tpu.memref_squeeze %dma_wait3A_132 : memref<1x125xi32, #tpu.memory_space<vmem>> -> memref<125xi32, #tpu.memory_space<vmem>>
      %dma_wait3A_134 = arith.constant 0 : i32
      %dma_wait3A_135 = tpu.memref_slice %arg3[%add3A, %run_scoped3A, %dma_wait3A_134] : memref<32x80x125xi32, #tpu.memory_space<hbm>> -> memref<1x1x125xi32, #tpu.memory_space<hbm>>
      %dma_wait3A_136 = tpu.memref_squeeze %dma_wait3A_135 : memref<1x1x125xi32, #tpu.memory_space<hbm>> -> memref<125xi32, #tpu.memory_space<hbm>>
      tpu.wait_dma2 semaphore(%run_scoped3A_112 : memref<!tpu.dma_semaphore, #tpu.memory_space<semaphore_mem>>) src(%dma_wait3A_136 : memref<125xi32, #tpu.memory_space<hbm>>) dst(%dma_wait3A_133 : memref<125xi32, #tpu.memory_space<vmem>>)
      tpu.yield
    }) : () -> ()
    %dma_start3A = arith.constant 0 : i32
    %dma_start3A_4 = arith.constant 0 : i32
    %dma_start3A_5 = tpu.memref_slice %arg7[%dma_start3A, %dma_start3A_4] : memref<2x125xi32, #tpu.memory_space<vmem>> -> memref<1x125xi32, #tpu.memory_space<vmem>>
    %dma_start3A_6 = tpu.memref_squeeze %dma_start3A_5 : memref<1x125xi32, #tpu.memory_space<vmem>> -> memref<125xi32, #tpu.memory_space<vmem>>
    %dma_start3A_7 = arith.constant 0 : i32
    %dma_start3A_8 = arith.constant 0 : i32
    %dma_start3A_9 = tpu.memref_slice %arg2[%dma_start3A_7, %dma_start3A_8] : memref<10000x128xf32, #tpu.memory_space<hbm>> -> memref<10000x128xf32, #tpu.memory_space<hbm>>
    tpu.enqueue_indirect_dma source(%dma_start3A_9 : memref<10000x128xf32, #tpu.memory_space<hbm>>) target(%arg9 : memref<125x128xf32, #tpu.memory_space<vmem>>) offsets(%dma_start3A_6 : memref<125xi32, #tpu.memory_space<vmem>>) semaphore(%arg12 : memref<!tpu.dma_semaphore, #tpu.memory_space<semaphore_mem>>)
    %dma_start3A_10 = arith.constant 1 : i32
    %dma_start3A_11 = arith.constant 1 : i32
    %dma_start3A_12 = arith.constant 0 : i32
    %dma_start3A_13 = tpu.memref_slice %arg7[%dma_start3A_11, %dma_start3A_12] : memref<2x125xi32, #tpu.memory_space<vmem>> -> memref<1x125xi32, #tpu.memory_space<vmem>>
    %dma_start3A_14 = tpu.memref_squeeze %dma_start3A_13 : memref<1x125xi32, #tpu.memory_space<vmem>> -> memref<125xi32, #tpu.memory_space<vmem>>
    %dma_start3A_15 = arith.constant 0 : i32
    %dma_start3A_16 = tpu.memref_slice %arg3[%add3A, %dma_start3A_10, %dma_start3A_15] : memref<32x80x125xi32, #tpu.memory_space<hbm>> -> memref<1x1x125xi32, #tpu.memory_space<hbm>>
    %dma_start3A_17 = tpu.memref_squeeze %dma_start3A_16 : memref<1x1x125xi32, #tpu.memory_space<hbm>> -> memref<125xi32, #tpu.memory_space<hbm>>
    %dma_start3A_18 = arith.constant 0 : i32
    %dma_start3A_19 = tpu.memref_slice %arg7[%dma_start3A_11, %dma_start3A_18] : memref<2x125xi32, #tpu.memory_space<vmem>> -> memref<1x125xi32, #tpu.memory_space<vmem>>
    %dma_start3A_20 = tpu.memref_squeeze %dma_start3A_19 : memref<1x125xi32, #tpu.memory_space<vmem>> -> memref<125xi32, #tpu.memory_space<vmem>>
    %dma_start3A_21 = arith.constant 0 : i32
    %dma_start3A_22 = tpu.memref_slice %arg3[%add3A, %dma_start3A_10, %dma_start3A_21] : memref<32x80x125xi32, #tpu.memory_space<hbm>> -> memref<1x1x125xi32, #tpu.memory_space<hbm>>
    %dma_start3A_23 = tpu.memref_squeeze %dma_start3A_22 : memref<1x1x125xi32, #tpu.memory_space<hbm>> -> memref<125xi32, #tpu.memory_space<hbm>>
    tpu.enqueue_dma source(%dma_start3A_23 : memref<125xi32, #tpu.memory_space<hbm>>) target(%dma_start3A_20 : memref<125xi32, #tpu.memory_space<vmem>>) target_semaphore(%arg15 : memref<!tpu.dma_semaphore, #tpu.memory_space<semaphore_mem>>)
    %dma_start3A_24 = arith.constant 0 : i32
    %dma_start3A_25 = arith.constant 0 : i32
    %dma_start3A_26 = arith.constant 0 : i32
    %dma_start3A_27 = tpu.memref_slice %arg8[%dma_start3A_25, %dma_start3A_26] : memref<2x125xi32, #tpu.memory_space<vmem>> -> memref<1x125xi32, #tpu.memory_space<vmem>>
    %dma_start3A_28 = tpu.memref_squeeze %dma_start3A_27 : memref<1x125xi32, #tpu.memory_space<vmem>> -> memref<125xi32, #tpu.memory_space<vmem>>
    %dma_start3A_29 = arith.constant 0 : i32
    %dma_start3A_30 = tpu.memref_slice %arg4[%add3A, %dma_start3A_24, %dma_start3A_29] : memref<32x80x125xi32, #tpu.memory_space<hbm>> -> memref<1x1x125xi32, #tpu.memory_space<hbm>>
    %dma_start3A_31 = tpu.memref_squeeze %dma_start3A_30 : memref<1x1x125xi32, #tpu.memory_space<hbm>> -> memref<125xi32, #tpu.memory_space<hbm>>
    %dma_start3A_32 = arith.constant 0 : i32
    %dma_start3A_33 = tpu.memref_slice %arg8[%dma_start3A_25, %dma_start3A_32] : memref<2x125xi32, #tpu.memory_space<vmem>> -> memref<1x125xi32, #tpu.memory_space<vmem>>
    %dma_start3A_34 = tpu.memref_squeeze %dma_start3A_33 : memref<1x125xi32, #tpu.memory_space<vmem>> -> memref<125xi32, #tpu.memory_space<vmem>>
    %dma_start3A_35 = arith.constant 0 : i32
    %dma_start3A_36 = tpu.memref_slice %arg4[%add3A, %dma_start3A_24, %dma_start3A_35] : memref<32x80x125xi32, #tpu.memory_space<hbm>> -> memref<1x1x125xi32, #tpu.memory_space<hbm>>
    %dma_start3A_37 = tpu.memref_squeeze %dma_start3A_36 : memref<1x1x125xi32, #tpu.memory_space<hbm>> -> memref<125xi32, #tpu.memory_space<hbm>>
    tpu.enqueue_dma source(%dma_start3A_37 : memref<125xi32, #tpu.memory_space<hbm>>) target(%dma_start3A_34 : memref<125xi32, #tpu.memory_space<vmem>>) target_semaphore(%arg16 : memref<!tpu.dma_semaphore, #tpu.memory_space<semaphore_mem>>)
    %dma_start3A_38 = arith.constant 1 : i32
    %dma_start3A_39 = arith.constant 1 : i32
    %dma_start3A_40 = arith.constant 0 : i32
    %dma_start3A_41 = tpu.memref_slice %arg8[%dma_start3A_39, %dma_start3A_40] : memref<2x125xi32, #tpu.memory_space<vmem>> -> memref<1x125xi32, #tpu.memory_space<vmem>>
    %dma_start3A_42 = tpu.memref_squeeze %dma_start3A_41 : memref<1x125xi32, #tpu.memory_space<vmem>> -> memref<125xi32, #tpu.memory_space<vmem>>
    %dma_start3A_43 = arith.constant 0 : i32
    %dma_start3A_44 = tpu.memref_slice %arg4[%add3A, %dma_start3A_38, %dma_start3A_43] : memref<32x80x125xi32, #tpu.memory_space<hbm>> -> memref<1x1x125xi32, #tpu.memory_space<hbm>>
    %dma_start3A_45 = tpu.memref_squeeze %dma_start3A_44 : memref<1x1x125xi32, #tpu.memory_space<hbm>> -> memref<125xi32, #tpu.memory_space<hbm>>
    %dma_start3A_46 = arith.constant 0 : i32
    %dma_start3A_47 = tpu.memref_slice %arg8[%dma_start3A_39, %dma_start3A_46] : memref<2x125xi32, #tpu.memory_space<vmem>> -> memref<1x125xi32, #tpu.memory_space<vmem>>
    %dma_start3A_48 = tpu.memref_squeeze %dma_start3A_47 : memref<1x125xi32, #tpu.memory_space<vmem>> -> memref<125xi32, #tpu.memory_space<vmem>>
    %dma_start3A_49 = arith.constant 0 : i32
    %dma_start3A_50 = tpu.memref_slice %arg4[%add3A, %dma_start3A_38, %dma_start3A_49] : memref<32x80x125xi32, #tpu.memory_space<hbm>> -> memref<1x1x125xi32, #tpu.memory_space<hbm>>
    %dma_start3A_51 = tpu.memref_squeeze %dma_start3A_50 : memref<1x1x125xi32, #tpu.memory_space<hbm>> -> memref<125xi32, #tpu.memory_space<hbm>>
    tpu.enqueue_dma source(%dma_start3A_51 : memref<125xi32, #tpu.memory_space<hbm>>) target(%dma_start3A_48 : memref<125xi32, #tpu.memory_space<vmem>>) target_semaphore(%arg17 : memref<!tpu.dma_semaphore, #tpu.memory_space<semaphore_mem>>)
    %scan3A = arith.constant 0 : i32
    %scan3A_52 = arith.constant 0 : i32
    %scan3A_53 = arith.constant 40 : i32
    %scan3A_54 = arith.addi %scan3A_52, %scan3A_53 : i32
    %scan3A_55 = arith.constant 1 : i32
    scf.for %scan3A_112 = %scan3A_52 to %scan3A_54 step %scan3A_55  : i32 {
      %mul3A_113 = arith.constant 2 : i32
      %mul3A_114 = arith.muli %mul3A_113, %scan3A_112 : i32
      %add3A_115 = arith.constant 1 : i32
      %add3A_116 = arith.addi %mul3A_114, %add3A_115 : i32
      %add3A_117 = arith.constant 2 : i32
      %add3A_118 = arith.addi %mul3A_114, %add3A_117 : i32
      %min3A = arith.constant 79 : i32
      %min3A_119 = arith.minsi %add3A_118, %min3A : i32
      %add3A_120 = arith.constant 2 : i32
      %add3A_121 = arith.addi %add3A_116, %add3A_120 : i32
      %min3A_122 = arith.constant 79 : i32
      %min3A_123 = arith.minsi %add3A_121, %min3A_122 : i32
      %dma_wait3A_124 = arith.constant 0 : i32
      %dma_wait3A_125 = arith.constant 0 : i32
      %dma_wait3A_126 = arith.constant 0 : i32
      %dma_wait3A_127 = arith.constant 0 : i32
      %dma_wait3A_128 = tpu.memref_slice %arg7[%dma_wait3A_126, %dma_wait3A_127] : memref<2x125xi32, #tpu.memory_space<vmem>> -> memref<1x125xi32, #tpu.memory_space<vmem>>
      %dma_wait3A_129 = tpu.memref_squeeze %dma_wait3A_128 : memref<1x125xi32, #tpu.memory_space<vmem>> -> memref<125xi32, #tpu.memory_space<vmem>>
      %dma_wait3A_130 = arith.constant 0 : i32
      %dma_wait3A_131 = tpu.memref_slice %arg3[%dma_wait3A_124, %dma_wait3A_125, %dma_wait3A_130] : memref<32x80x125xi32, #tpu.memory_space<hbm>> -> memref<1x1x125xi32, #tpu.memory_space<hbm>>
      %dma_wait3A_132 = tpu.memref_squeeze %dma_wait3A_131 : memref<1x1x125xi32, #tpu.memory_space<hbm>> -> memref<125xi32, #tpu.memory_space<hbm>>
      %dma_wait3A_133 = arith.constant 0 : i32
      %dma_wait3A_134 = tpu.memref_slice %arg7[%dma_wait3A_126, %dma_wait3A_133] : memref<2x125xi32, #tpu.memory_space<vmem>> -> memref<1x125xi32, #tpu.memory_space<vmem>>
      %dma_wait3A_135 = tpu.memref_squeeze %dma_wait3A_134 : memref<1x125xi32, #tpu.memory_space<vmem>> -> memref<125xi32, #tpu.memory_space<vmem>>
      %dma_wait3A_136 = arith.constant 0 : i32
      %dma_wait3A_137 = tpu.memref_slice %arg3[%dma_wait3A_124, %dma_wait3A_125, %dma_wait3A_136] : memref<32x80x125xi32, #tpu.memory_space<hbm>> -> memref<1x1x125xi32, #tpu.memory_space<hbm>>
      %dma_wait3A_138 = tpu.memref_squeeze %dma_wait3A_137 : memref<1x1x125xi32, #tpu.memory_space<hbm>> -> memref<125xi32, #tpu.memory_space<hbm>>
      tpu.wait_dma2 semaphore(%arg15 : memref<!tpu.dma_semaphore, #tpu.memory_space<semaphore_mem>>) src(%dma_wait3A_138 : memref<125xi32, #tpu.memory_space<hbm>>) dst(%dma_wait3A_135 : memref<125xi32, #tpu.memory_space<vmem>>)
      %dma_start3A_139 = arith.constant 1 : i32
      %dma_start3A_140 = arith.constant 0 : i32
      %dma_start3A_141 = tpu.memref_slice %arg7[%dma_start3A_139, %dma_start3A_140] : memref<2x125xi32, #tpu.memory_space<vmem>> -> memref<1x125xi32, #tpu.memory_space<vmem>>
      %dma_start3A_142 = tpu.memref_squeeze %dma_start3A_141 : memref<1x125xi32, #tpu.memory_space<vmem>> -> memref<125xi32, #tpu.memory_space<vmem>>
      %dma_start3A_143 = arith.constant 0 : i32
      %dma_start3A_144 = arith.constant 0 : i32
      %dma_start3A_145 = tpu.memref_slice %arg2[%dma_start3A_143, %dma_start3A_144] : memref<10000x128xf32, #tpu.memory_space<hbm>> -> memref<10000x128xf32, #tpu.memory_space<hbm>>
      tpu.enqueue_indirect_dma source(%dma_start3A_145 : memref<10000x128xf32, #tpu.memory_space<hbm>>) target(%arg10 : memref<125x128xf32, #tpu.memory_space<vmem>>) offsets(%dma_start3A_142 : memref<125xi32, #tpu.memory_space<vmem>>) semaphore(%arg13 : memref<!tpu.dma_semaphore, #tpu.memory_space<semaphore_mem>>)
      %dma_wait3A_146 = arith.constant 0 : i32
      %dma_wait3A_147 = arith.constant 0 : i32
      %dma_wait3A_148 = tpu.memref_slice %arg2[%dma_wait3A_146, %dma_wait3A_147] : memref<10000x128xf32, #tpu.memory_space<hbm>> -> memref<125x128xf32, #tpu.memory_space<hbm>>
      %dma_wait3A_149 = arith.constant 0 : i32
      %dma_wait3A_150 = arith.constant 0 : i32
      %dma_wait3A_151 = tpu.memref_slice %arg2[%dma_wait3A_149, %dma_wait3A_150] : memref<10000x128xf32, #tpu.memory_space<hbm>> -> memref<125x128xf32, #tpu.memory_space<hbm>>
      tpu.wait_dma2 semaphore(%arg12 : memref<!tpu.dma_semaphore, #tpu.memory_space<semaphore_mem>>) src(%dma_wait3A_151 : memref<125x128xf32, #tpu.memory_space<hbm>>) dst(%arg9 : memref<125x128xf32, #tpu.memory_space<vmem>>)
      %dma_start3A_152 = arith.constant 0 : i32
      %dma_start3A_153 = arith.constant 0 : i32
      %dma_start3A_154 = tpu.memref_slice %arg7[%dma_start3A_152, %dma_start3A_153] : memref<2x125xi32, #tpu.memory_space<vmem>> -> memref<1x125xi32, #tpu.memory_space<vmem>>
      %dma_start3A_155 = tpu.memref_squeeze %dma_start3A_154 : memref<1x125xi32, #tpu.memory_space<vmem>> -> memref<125xi32, #tpu.memory_space<vmem>>
      %dma_start3A_156 = arith.constant 0 : i32
      %dma_start3A_157 = tpu.memref_slice %arg3[%add3A, %min3A_119, %dma_start3A_156] : memref<32x80x125xi32, #tpu.memory_space<hbm>> -> memref<1x1x125xi32, #tpu.memory_space<hbm>>
      %dma_start3A_158 = tpu.memref_squeeze %dma_start3A_157 : memref<1x1x125xi32, #tpu.memory_space<hbm>> -> memref<125xi32, #tpu.memory_space<hbm>>
      %dma_start3A_159 = arith.constant 0 : i32
      %dma_start3A_160 = tpu.memref_slice %arg7[%dma_start3A_152, %dma_start3A_159] : memref<2x125xi32, #tpu.memory_space<vmem>> -> memref<1x125xi32, #tpu.memory_space<vmem>>
      %dma_start3A_161 = tpu.memref_squeeze %dma_start3A_160 : memref<1x125xi32, #tpu.memory_space<vmem>> -> memref<125xi32, #tpu.memory_space<vmem>>
      %dma_start3A_162 = arith.constant 0 : i32
      %dma_start3A_163 = tpu.memref_slice %arg3[%add3A, %min3A_119, %dma_start3A_162] : memref<32x80x125xi32, #tpu.memory_space<hbm>> -> memref<1x1x125xi32, #tpu.memory_space<hbm>>
      %dma_start3A_164 = tpu.memref_squeeze %dma_start3A_163 : memref<1x1x125xi32, #tpu.memory_space<hbm>> -> memref<125xi32, #tpu.memory_space<hbm>>
      tpu.enqueue_dma source(%dma_start3A_164 : memref<125xi32, #tpu.memory_space<hbm>>) target(%dma_start3A_161 : memref<125xi32, #tpu.memory_space<vmem>>) target_semaphore(%arg14 : memref<!tpu.dma_semaphore, #tpu.memory_space<semaphore_mem>>)
      %dma_wait3A_165 = arith.constant 0 : i32
      %dma_wait3A_166 = arith.constant 0 : i32
      %dma_wait3A_167 = arith.constant 0 : i32
      %dma_wait3A_168 = arith.constant 0 : i32
      %dma_wait3A_169 = tpu.memref_slice %arg7[%dma_wait3A_167, %dma_wait3A_168] : memref<2x125xi32, #tpu.memory_space<vmem>> -> memref<1x125xi32, #tpu.memory_space<vmem>>
      %dma_wait3A_170 = tpu.memref_squeeze %dma_wait3A_169 : memref<1x125xi32, #tpu.memory_space<vmem>> -> memref<125xi32, #tpu.memory_space<vmem>>
      %dma_wait3A_171 = arith.constant 0 : i32
      %dma_wait3A_172 = tpu.memref_slice %arg3[%dma_wait3A_165, %dma_wait3A_166, %dma_wait3A_171] : memref<32x80x125xi32, #tpu.memory_space<hbm>> -> memref<1x1x125xi32, #tpu.memory_space<hbm>>
      %dma_wait3A_173 = tpu.memref_squeeze %dma_wait3A_172 : memref<1x1x125xi32, #tpu.memory_space<hbm>> -> memref<125xi32, #tpu.memory_space<hbm>>
      %dma_wait3A_174 = arith.constant 0 : i32
      %dma_wait3A_175 = tpu.memref_slice %arg7[%dma_wait3A_167, %dma_wait3A_174] : memref<2x125xi32, #tpu.memory_space<vmem>> -> memref<1x125xi32, #tpu.memory_space<vmem>>
      %dma_wait3A_176 = tpu.memref_squeeze %dma_wait3A_175 : memref<1x125xi32, #tpu.memory_space<vmem>> -> memref<125xi32, #tpu.memory_space<vmem>>
      %dma_wait3A_177 = arith.constant 0 : i32
      %dma_wait3A_178 = tpu.memref_slice %arg3[%dma_wait3A_165, %dma_wait3A_166, %dma_wait3A_177] : memref<32x80x125xi32, #tpu.memory_space<hbm>> -> memref<1x1x125xi32, #tpu.memory_space<hbm>>
      %dma_wait3A_179 = tpu.memref_squeeze %dma_wait3A_178 : memref<1x1x125xi32, #tpu.memory_space<hbm>> -> memref<125xi32, #tpu.memory_space<hbm>>
      tpu.wait_dma2 semaphore(%arg16 : memref<!tpu.dma_semaphore, #tpu.memory_space<semaphore_mem>>) src(%dma_wait3A_179 : memref<125xi32, #tpu.memory_space<hbm>>) dst(%dma_wait3A_176 : memref<125xi32, #tpu.memory_space<vmem>>)
      %run_scoped3A_180 = arith.constant 0 : i32
      "tpu.region"() ({
        %run_scoped3A_264 = tpu.sem_alloc : memref<!tpu.dma_semaphore, #tpu.memory_space<semaphore_mem>>
        %dma_start3A_265 = arith.constant 0 : i32
        %dma_start3A_266 = tpu.memref_slice %arg8[%run_scoped3A_180, %dma_start3A_265] : memref<2x125xi32, #tpu.memory_space<vmem>> -> memref<1x125xi32, #tpu.memory_space<vmem>>
        %dma_start3A_267 = tpu.memref_squeeze %dma_start3A_266 : memref<1x125xi32, #tpu.memory_space<vmem>> -> memref<125xi32, #tpu.memory_space<vmem>>
        %dma_start3A_268 = arith.constant 0 : i32
        %dma_start3A_269 = arith.constant 0 : i32
        %dma_start3A_270 = tpu.memref_slice %arg11[%dma_start3A_268, %dma_start3A_269] : memref<10112x128xf32, #tpu.memory_space<vmem_shared>> -> memref<10112x128xf32, #tpu.memory_space<vmem_shared>>
        tpu.enqueue_indirect_dma source(%arg9 : memref<125x128xf32, #tpu.memory_space<vmem>>) target(%dma_start3A_270 : memref<10112x128xf32, #tpu.memory_space<vmem_shared>>) offsets(%dma_start3A_267 : memref<125xi32, #tpu.memory_space<vmem>>) semaphore(%run_scoped3A_264 : memref<!tpu.dma_semaphore, #tpu.memory_space<semaphore_mem>>) {add = true}
        %dma_wait3A_271 = arith.constant 0 : i32
        %dma_wait3A_272 = tpu.memref_slice %arg8[%run_scoped3A_180, %dma_wait3A_271] : memref<2x125xi32, #tpu.memory_space<vmem>> -> memref<1x125xi32, #tpu.memory_space<vmem>>
        %dma_wait3A_273 = tpu.memref_squeeze %dma_wait3A_272 : memref<1x125xi32, #tpu.memory_space<vmem>> -> memref<125xi32, #tpu.memory_space<vmem>>
        %dma_wait3A_274 = arith.constant 0 : i32
        %dma_wait3A_275 = arith.constant 0 : i32
        %dma_wait3A_276 = tpu.memref_slice %arg11[%dma_wait3A_274, %dma_wait3A_275] : memref<10112x128xf32, #tpu.memory_space<vmem_shared>> -> memref<10112x128xf32, #tpu.memory_space<vmem_shared>>
        tpu.wait_indirect_dma semaphore(%run_scoped3A_264 : memref<!tpu.dma_semaphore, #tpu.memory_space<semaphore_mem>>) src(%arg9 : memref<125x128xf32, #tpu.memory_space<vmem>>) dst(%dma_wait3A_276 : memref<10112x128xf32, #tpu.memory_space<vmem_shared>>)
        tpu.yield
      }) : () -> ()
      %dma_start3A_181 = arith.constant 0 : i32
      %dma_start3A_182 = arith.constant 0 : i32
      %dma_start3A_183 = tpu.memref_slice %arg8[%dma_start3A_181, %dma_start3A_182] : memref<2x125xi32, #tpu.memory_space<vmem>> -> memref<1x125xi32, #tpu.memory_space<vmem>>
      %dma_start3A_184 = tpu.memref_squeeze %dma_start3A_183 : memref<1x125xi32, #tpu.memory_space<vmem>> -> memref<125xi32, #tpu.memory_space<vmem>>
      %dma_start3A_185 = arith.constant 0 : i32
      %dma_start3A_186 = tpu.memref_slice %arg4[%add3A, %min3A_119, %dma_start3A_185] : memref<32x80x125xi32, #tpu.memory_space<hbm>> -> memref<1x1x125xi32, #tpu.memory_space<hbm>>
      %dma_start3A_187 = tpu.memref_squeeze %dma_start3A_186 : memref<1x1x125xi32, #tpu.memory_space<hbm>> -> memref<125xi32, #tpu.memory_space<hbm>>
      %dma_start3A_188 = arith.constant 0 : i32
      %dma_start3A_189 = tpu.memref_slice %arg8[%dma_start3A_181, %dma_start3A_188] : memref<2x125xi32, #tpu.memory_space<vmem>> -> memref<1x125xi32, #tpu.memory_space<vmem>>
      %dma_start3A_190 = tpu.memref_squeeze %dma_start3A_189 : memref<1x125xi32, #tpu.memory_space<vmem>> -> memref<125xi32, #tpu.memory_space<vmem>>
      %dma_start3A_191 = arith.constant 0 : i32
      %dma_start3A_192 = tpu.memref_slice %arg4[%add3A, %min3A_119, %dma_start3A_191] : memref<32x80x125xi32, #tpu.memory_space<hbm>> -> memref<1x1x125xi32, #tpu.memory_space<hbm>>
      %dma_start3A_193 = tpu.memref_squeeze %dma_start3A_192 : memref<1x1x125xi32, #tpu.memory_space<hbm>> -> memref<125xi32, #tpu.memory_space<hbm>>
      tpu.enqueue_dma source(%dma_start3A_193 : memref<125xi32, #tpu.memory_space<hbm>>) target(%dma_start3A_190 : memref<125xi32, #tpu.memory_space<vmem>>) target_semaphore(%arg16 : memref<!tpu.dma_semaphore, #tpu.memory_space<semaphore_mem>>)
      %dma_wait3A_194 = arith.constant 0 : i32
      %dma_wait3A_195 = arith.constant 0 : i32
      %dma_wait3A_196 = arith.constant 0 : i32
      %dma_wait3A_197 = arith.constant 0 : i32
      %dma_wait3A_198 = tpu.memref_slice %arg7[%dma_wait3A_196, %dma_wait3A_197] : memref<2x125xi32, #tpu.memory_space<vmem>> -> memref<1x125xi32, #tpu.memory_space<vmem>>
      %dma_wait3A_199 = tpu.memref_squeeze %dma_wait3A_198 : memref<1x125xi32, #tpu.memory_space<vmem>> -> memref<125xi32, #tpu.memory_space<vmem>>
      %dma_wait3A_200 = arith.constant 0 : i32
      %dma_wait3A_201 = tpu.memref_slice %arg3[%dma_wait3A_194, %dma_wait3A_195, %dma_wait3A_200] : memref<32x80x125xi32, #tpu.memory_space<hbm>> -> memref<1x1x125xi32, #tpu.memory_space<hbm>>
      %dma_wait3A_202 = tpu.memref_squeeze %dma_wait3A_201 : memref<1x1x125xi32, #tpu.memory_space<hbm>> -> memref<125xi32, #tpu.memory_space<hbm>>
      %dma_wait3A_203 = arith.constant 0 : i32
      %dma_wait3A_204 = tpu.memref_slice %arg7[%dma_wait3A_196, %dma_wait3A_203] : memref<2x125xi32, #tpu.memory_space<vmem>> -> memref<1x125xi32, #tpu.memory_space<vmem>>
      %dma_wait3A_205 = tpu.memref_squeeze %dma_wait3A_204 : memref<1x125xi32, #tpu.memory_space<vmem>> -> memref<125xi32, #tpu.memory_space<vmem>>
      %dma_wait3A_206 = arith.constant 0 : i32
      %dma_wait3A_207 = tpu.memref_slice %arg3[%dma_wait3A_194, %dma_wait3A_195, %dma_wait3A_206] : memref<32x80x125xi32, #tpu.memory_space<hbm>> -> memref<1x1x125xi32, #tpu.memory_space<hbm>>
      %dma_wait3A_208 = tpu.memref_squeeze %dma_wait3A_207 : memref<1x1x125xi32, #tpu.memory_space<hbm>> -> memref<125xi32, #tpu.memory_space<hbm>>
      tpu.wait_dma2 semaphore(%arg14 : memref<!tpu.dma_semaphore, #tpu.memory_space<semaphore_mem>>) src(%dma_wait3A_208 : memref<125xi32, #tpu.memory_space<hbm>>) dst(%dma_wait3A_205 : memref<125xi32, #tpu.memory_space<vmem>>)
      %dma_start3A_209 = arith.constant 0 : i32
      %dma_start3A_210 = arith.constant 0 : i32
      %dma_start3A_211 = tpu.memref_slice %arg7[%dma_start3A_209, %dma_start3A_210] : memref<2x125xi32, #tpu.memory_space<vmem>> -> memref<1x125xi32, #tpu.memory_space<vmem>>
      %dma_start3A_212 = tpu.memref_squeeze %dma_start3A_211 : memref<1x125xi32, #tpu.memory_space<vmem>> -> memref<125xi32, #tpu.memory_space<vmem>>
      %dma_start3A_213 = arith.constant 0 : i32
      %dma_start3A_214 = arith.constant 0 : i32
      %dma_start3A_215 = tpu.memref_slice %arg2[%dma_start3A_213, %dma_start3A_214] : memref<10000x128xf32, #tpu.memory_space<hbm>> -> memref<10000x128xf32, #tpu.memory_space<hbm>>
      tpu.enqueue_indirect_dma source(%dma_start3A_215 : memref<10000x128xf32, #tpu.memory_space<hbm>>) target(%arg9 : memref<125x128xf32, #tpu.memory_space<vmem>>) offsets(%dma_start3A_212 : memref<125xi32, #tpu.memory_space<vmem>>) semaphore(%arg12 : memref<!tpu.dma_semaphore, #tpu.memory_space<semaphore_mem>>)
      %dma_wait3A_216 = arith.constant 0 : i32
      %dma_wait3A_217 = arith.constant 0 : i32
      %dma_wait3A_218 = tpu.memref_slice %arg2[%dma_wait3A_216, %dma_wait3A_217] : memref<10000x128xf32, #tpu.memory_space<hbm>> -> memref<125x128xf32, #tpu.memory_space<hbm>>
      %dma_wait3A_219 = arith.constant 0 : i32
      %dma_wait3A_220 = arith.constant 0 : i32
      %dma_wait3A_221 = tpu.memref_slice %arg2[%dma_wait3A_219, %dma_wait3A_220] : memref<10000x128xf32, #tpu.memory_space<hbm>> -> memref<125x128xf32, #tpu.memory_space<hbm>>
      tpu.wait_dma2 semaphore(%arg13 : memref<!tpu.dma_semaphore, #tpu.memory_space<semaphore_mem>>) src(%dma_wait3A_221 : memref<125x128xf32, #tpu.memory_space<hbm>>) dst(%arg10 : memref<125x128xf32, #tpu.memory_space<vmem>>)
      %dma_start3A_222 = arith.constant 1 : i32
      %dma_start3A_223 = arith.constant 0 : i32
      %dma_start3A_224 = tpu.memref_slice %arg7[%dma_start3A_222, %dma_start3A_223] : memref<2x125xi32, #tpu.memory_space<vmem>> -> memref<1x125xi32, #tpu.memory_space<vmem>>
      %dma_start3A_225 = tpu.memref_squeeze %dma_start3A_224 : memref<1x125xi32, #tpu.memory_space<vmem>> -> memref<125xi32, #tpu.memory_space<vmem>>
      %dma_start3A_226 = arith.constant 0 : i32
      %dma_start3A_227 = tpu.memref_slice %arg3[%add3A, %min3A_123, %dma_start3A_226] : memref<32x80x125xi32, #tpu.memory_space<hbm>> -> memref<1x1x125xi32, #tpu.memory_space<hbm>>
      %dma_start3A_228 = tpu.memref_squeeze %dma_start3A_227 : memref<1x1x125xi32, #tpu.memory_space<hbm>> -> memref<125xi32, #tpu.memory_space<hbm>>
      %dma_start3A_229 = arith.constant 0 : i32
      %dma_start3A_230 = tpu.memref_slice %arg7[%dma_start3A_222, %dma_start3A_229] : memref<2x125xi32, #tpu.memory_space<vmem>> -> memref<1x125xi32, #tpu.memory_space<vmem>>
      %dma_start3A_231 = tpu.memref_squeeze %dma_start3A_230 : memref<1x125xi32, #tpu.memory_space<vmem>> -> memref<125xi32, #tpu.memory_space<vmem>>
      %dma_start3A_232 = arith.constant 0 : i32
      %dma_start3A_233 = tpu.memref_slice %arg3[%add3A, %min3A_123, %dma_start3A_232] : memref<32x80x125xi32, #tpu.memory_space<hbm>> -> memref<1x1x125xi32, #tpu.memory_space<hbm>>
      %dma_start3A_234 = tpu.memref_squeeze %dma_start3A_233 : memref<1x1x125xi32, #tpu.memory_space<hbm>> -> memref<125xi32, #tpu.memory_space<hbm>>
      tpu.enqueue_dma source(%dma_start3A_234 : memref<125xi32, #tpu.memory_space<hbm>>) target(%dma_start3A_231 : memref<125xi32, #tpu.memory_space<vmem>>) target_semaphore(%arg15 : memref<!tpu.dma_semaphore, #tpu.memory_space<semaphore_mem>>)
      %dma_wait3A_235 = arith.constant 0 : i32
      %dma_wait3A_236 = arith.constant 0 : i32
      %dma_wait3A_237 = arith.constant 0 : i32
      %dma_wait3A_238 = arith.constant 0 : i32
      %dma_wait3A_239 = tpu.memref_slice %arg7[%dma_wait3A_237, %dma_wait3A_238] : memref<2x125xi32, #tpu.memory_space<vmem>> -> memref<1x125xi32, #tpu.memory_space<vmem>>
      %dma_wait3A_240 = tpu.memref_squeeze %dma_wait3A_239 : memref<1x125xi32, #tpu.memory_space<vmem>> -> memref<125xi32, #tpu.memory_space<vmem>>
      %dma_wait3A_241 = arith.constant 0 : i32
      %dma_wait3A_242 = tpu.memref_slice %arg3[%dma_wait3A_235, %dma_wait3A_236, %dma_wait3A_241] : memref<32x80x125xi32, #tpu.memory_space<hbm>> -> memref<1x1x125xi32, #tpu.memory_space<hbm>>
      %dma_wait3A_243 = tpu.memref_squeeze %dma_wait3A_242 : memref<1x1x125xi32, #tpu.memory_space<hbm>> -> memref<125xi32, #tpu.memory_space<hbm>>
      %dma_wait3A_244 = arith.constant 0 : i32
      %dma_wait3A_245 = tpu.memref_slice %arg7[%dma_wait3A_237, %dma_wait3A_244] : memref<2x125xi32, #tpu.memory_space<vmem>> -> memref<1x125xi32, #tpu.memory_space<vmem>>
      %dma_wait3A_246 = tpu.memref_squeeze %dma_wait3A_245 : memref<1x125xi32, #tpu.memory_space<vmem>> -> memref<125xi32, #tpu.memory_space<vmem>>
      %dma_wait3A_247 = arith.constant 0 : i32
      %dma_wait3A_248 = tpu.memref_slice %arg3[%dma_wait3A_235, %dma_wait3A_236, %dma_wait3A_247] : memref<32x80x125xi32, #tpu.memory_space<hbm>> -> memref<1x1x125xi32, #tpu.memory_space<hbm>>
      %dma_wait3A_249 = tpu.memref_squeeze %dma_wait3A_248 : memref<1x1x125xi32, #tpu.memory_space<hbm>> -> memref<125xi32, #tpu.memory_space<hbm>>
      tpu.wait_dma2 semaphore(%arg17 : memref<!tpu.dma_semaphore, #tpu.memory_space<semaphore_mem>>) src(%dma_wait3A_249 : memref<125xi32, #tpu.memory_space<hbm>>) dst(%dma_wait3A_246 : memref<125xi32, #tpu.memory_space<vmem>>)
      %run_scoped3A_250 = arith.constant 1 : i32
      "tpu.region"() ({
        %run_scoped3A_264 = tpu.sem_alloc : memref<!tpu.dma_semaphore, #tpu.memory_space<semaphore_mem>>
        %dma_start3A_265 = arith.constant 0 : i32
        %dma_start3A_266 = tpu.memref_slice %arg8[%run_scoped3A_250, %dma_start3A_265] : memref<2x125xi32, #tpu.memory_space<vmem>> -> memref<1x125xi32, #tpu.memory_space<vmem>>
        %dma_start3A_267 = tpu.memref_squeeze %dma_start3A_266 : memref<1x125xi32, #tpu.memory_space<vmem>> -> memref<125xi32, #tpu.memory_space<vmem>>
        %dma_start3A_268 = arith.constant 0 : i32
        %dma_start3A_269 = arith.constant 0 : i32
        %dma_start3A_270 = tpu.memref_slice %arg11[%dma_start3A_268, %dma_start3A_269] : memref<10112x128xf32, #tpu.memory_space<vmem_shared>> -> memref<10112x128xf32, #tpu.memory_space<vmem_shared>>
        tpu.enqueue_indirect_dma source(%arg10 : memref<125x128xf32, #tpu.memory_space<vmem>>) target(%dma_start3A_270 : memref<10112x128xf32, #tpu.memory_space<vmem_shared>>) offsets(%dma_start3A_267 : memref<125xi32, #tpu.memory_space<vmem>>) semaphore(%run_scoped3A_264 : memref<!tpu.dma_semaphore, #tpu.memory_space<semaphore_mem>>) {add = true}
        %dma_wait3A_271 = arith.constant 0 : i32
        %dma_wait3A_272 = tpu.memref_slice %arg8[%run_scoped3A_250, %dma_wait3A_271] : memref<2x125xi32, #tpu.memory_space<vmem>> -> memref<1x125xi32, #tpu.memory_space<vmem>>
        %dma_wait3A_273 = tpu.memref_squeeze %dma_wait3A_272 : memref<1x125xi32, #tpu.memory_space<vmem>> -> memref<125xi32, #tpu.memory_space<vmem>>
        %dma_wait3A_274 = arith.constant 0 : i32
        %dma_wait3A_275 = arith.constant 0 : i32
        %dma_wait3A_276 = tpu.memref_slice %arg11[%dma_wait3A_274, %dma_wait3A_275] : memref<10112x128xf32, #tpu.memory_space<vmem_shared>> -> memref<10112x128xf32, #tpu.memory_space<vmem_shared>>
        tpu.wait_indirect_dma semaphore(%run_scoped3A_264 : memref<!tpu.dma_semaphore, #tpu.memory_space<semaphore_mem>>) src(%arg10 : memref<125x128xf32, #tpu.memory_space<vmem>>) dst(%dma_wait3A_276 : memref<10112x128xf32, #tpu.memory_space<vmem_shared>>)
        tpu.yield
      }) : () -> ()
      %dma_start3A_251 = arith.constant 1 : i32
      %dma_start3A_252 = arith.constant 0 : i32
      %dma_start3A_253 = tpu.memref_slice %arg8[%dma_start3A_251, %dma_start3A_252] : memref<2x125xi32, #tpu.memory_space<vmem>> -> memref<1x125xi32, #tpu.memory_space<vmem>>
      %dma_start3A_254 = tpu.memref_squeeze %dma_start3A_253 : memref<1x125xi32, #tpu.memory_space<vmem>> -> memref<125xi32, #tpu.memory_space<vmem>>
      %dma_start3A_255 = arith.constant 0 : i32
      %dma_start3A_256 = tpu.memref_slice %arg4[%add3A, %min3A_123, %dma_start3A_255] : memref<32x80x125xi32, #tpu.memory_space<hbm>> -> memref<1x1x125xi32, #tpu.memory_space<hbm>>
      %dma_start3A_257 = tpu.memref_squeeze %dma_start3A_256 : memref<1x1x125xi32, #tpu.memory_space<hbm>> -> memref<125xi32, #tpu.memory_space<hbm>>
      %dma_start3A_258 = arith.constant 0 : i32
      %dma_start3A_259 = tpu.memref_slice %arg8[%dma_start3A_251, %dma_start3A_258] : memref<2x125xi32, #tpu.memory_space<vmem>> -> memref<1x125xi32, #tpu.memory_space<vmem>>
      %dma_start3A_260 = tpu.memref_squeeze %dma_start3A_259 : memref<1x125xi32, #tpu.memory_space<vmem>> -> memref<125xi32, #tpu.memory_space<vmem>>
      %dma_start3A_261 = arith.constant 0 : i32
      %dma_start3A_262 = tpu.memref_slice %arg4[%add3A, %min3A_123, %dma_start3A_261] : memref<32x80x125xi32, #tpu.memory_space<hbm>> -> memref<1x1x125xi32, #tpu.memory_space<hbm>>
      %dma_start3A_263 = tpu.memref_squeeze %dma_start3A_262 : memref<1x1x125xi32, #tpu.memory_space<hbm>> -> memref<125xi32, #tpu.memory_space<hbm>>
      tpu.enqueue_dma source(%dma_start3A_263 : memref<125xi32, #tpu.memory_space<hbm>>) target(%dma_start3A_260 : memref<125xi32, #tpu.memory_space<vmem>>) target_semaphore(%arg17 : memref<!tpu.dma_semaphore, #tpu.memory_space<semaphore_mem>>)
    }
    %scan3A_56 = arith.constant 40 : i32
    %dma_wait3A = arith.constant 0 : i32
    %dma_wait3A_57 = arith.constant 0 : i32
    %dma_wait3A_58 = tpu.memref_slice %arg2[%dma_wait3A, %dma_wait3A_57] : memref<10000x128xf32, #tpu.memory_space<hbm>> -> memref<125x128xf32, #tpu.memory_space<hbm>>
    %dma_wait3A_59 = arith.constant 0 : i32
    %dma_wait3A_60 = arith.constant 0 : i32
    %dma_wait3A_61 = tpu.memref_slice %arg2[%dma_wait3A_59, %dma_wait3A_60] : memref<10000x128xf32, #tpu.memory_space<hbm>> -> memref<125x128xf32, #tpu.memory_space<hbm>>
    tpu.wait_dma2 semaphore(%arg12 : memref<!tpu.dma_semaphore, #tpu.memory_space<semaphore_mem>>) src(%dma_wait3A_61 : memref<125x128xf32, #tpu.memory_space<hbm>>) dst(%arg9 : memref<125x128xf32, #tpu.memory_space<vmem>>)
    %dma_wait3A_62 = arith.constant 0 : i32
    %dma_wait3A_63 = arith.constant 0 : i32
    %dma_wait3A_64 = arith.constant 0 : i32
    %dma_wait3A_65 = arith.constant 0 : i32
    %dma_wait3A_66 = tpu.memref_slice %arg7[%dma_wait3A_64, %dma_wait3A_65] : memref<2x125xi32, #tpu.memory_space<vmem>> -> memref<1x125xi32, #tpu.memory_space<vmem>>
    %dma_wait3A_67 = tpu.memref_squeeze %dma_wait3A_66 : memref<1x125xi32, #tpu.memory_space<vmem>> -> memref<125xi32, #tpu.memory_space<vmem>>
    %dma_wait3A_68 = arith.constant 0 : i32
    %dma_wait3A_69 = tpu.memref_slice %arg3[%dma_wait3A_62, %dma_wait3A_63, %dma_wait3A_68] : memref<32x80x125xi32, #tpu.memory_space<hbm>> -> memref<1x1x125xi32, #tpu.memory_space<hbm>>
    %dma_wait3A_70 = tpu.memref_squeeze %dma_wait3A_69 : memref<1x1x125xi32, #tpu.memory_space<hbm>> -> memref<125xi32, #tpu.memory_space<hbm>>
    %dma_wait3A_71 = arith.constant 0 : i32
    %dma_wait3A_72 = tpu.memref_slice %arg7[%dma_wait3A_64, %dma_wait3A_71] : memref<2x125xi32, #tpu.memory_space<vmem>> -> memref<1x125xi32, #tpu.memory_space<vmem>>
    %dma_wait3A_73 = tpu.memref_squeeze %dma_wait3A_72 : memref<1x125xi32, #tpu.memory_space<vmem>> -> memref<125xi32, #tpu.memory_space<vmem>>
    %dma_wait3A_74 = arith.constant 0 : i32
    %dma_wait3A_75 = tpu.memref_slice %arg3[%dma_wait3A_62, %dma_wait3A_63, %dma_wait3A_74] : memref<32x80x125xi32, #tpu.memory_space<hbm>> -> memref<1x1x125xi32, #tpu.memory_space<hbm>>
    %dma_wait3A_76 = tpu.memref_squeeze %dma_wait3A_75 : memref<1x1x125xi32, #tpu.memory_space<hbm>> -> memref<125xi32, #tpu.memory_space<hbm>>
    tpu.wait_dma2 semaphore(%arg15 : memref<!tpu.dma_semaphore, #tpu.memory_space<semaphore_mem>>) src(%dma_wait3A_76 : memref<125xi32, #tpu.memory_space<hbm>>) dst(%dma_wait3A_73 : memref<125xi32, #tpu.memory_space<vmem>>)
    %dma_wait3A_77 = arith.constant 0 : i32
    %dma_wait3A_78 = arith.constant 0 : i32
    %dma_wait3A_79 = arith.constant 0 : i32
    %dma_wait3A_80 = arith.constant 0 : i32
    %dma_wait3A_81 = tpu.memref_slice %arg7[%dma_wait3A_79, %dma_wait3A_80] : memref<2x125xi32, #tpu.memory_space<vmem>> -> memref<1x125xi32, #tpu.memory_space<vmem>>
    %dma_wait3A_82 = tpu.memref_squeeze %dma_wait3A_81 : memref<1x125xi32, #tpu.memory_space<vmem>> -> memref<125xi32, #tpu.memory_space<vmem>>
    %dma_wait3A_83 = arith.constant 0 : i32
    %dma_wait3A_84 = tpu.memref_slice %arg3[%dma_wait3A_77, %dma_wait3A_78, %dma_wait3A_83] : memref<32x80x125xi32, #tpu.memory_space<hbm>> -> memref<1x1x125xi32, #tpu.memory_space<hbm>>
    %dma_wait3A_85 = tpu.memref_squeeze %dma_wait3A_84 : memref<1x1x125xi32, #tpu.memory_space<hbm>> -> memref<125xi32, #tpu.memory_space<hbm>>
    %dma_wait3A_86 = arith.constant 0 : i32
    %dma_wait3A_87 = tpu.memref_slice %arg7[%dma_wait3A_79, %dma_wait3A_86] : memref<2x125xi32, #tpu.memory_space<vmem>> -> memref<1x125xi32, #tpu.memory_space<vmem>>
    %dma_wait3A_88 = tpu.memref_squeeze %dma_wait3A_87 : memref<1x125xi32, #tpu.memory_space<vmem>> -> memref<125xi32, #tpu.memory_space<vmem>>
    %dma_wait3A_89 = arith.constant 0 : i32
    %dma_wait3A_90 = tpu.memref_slice %arg3[%dma_wait3A_77, %dma_wait3A_78, %dma_wait3A_89] : memref<32x80x125xi32, #tpu.memory_space<hbm>> -> memref<1x1x125xi32, #tpu.memory_space<hbm>>
    %dma_wait3A_91 = tpu.memref_squeeze %dma_wait3A_90 : memref<1x1x125xi32, #tpu.memory_space<hbm>> -> memref<125xi32, #tpu.memory_space<hbm>>
    tpu.wait_dma2 semaphore(%arg16 : memref<!tpu.dma_semaphore, #tpu.memory_space<semaphore_mem>>) src(%dma_wait3A_91 : memref<125xi32, #tpu.memory_space<hbm>>) dst(%dma_wait3A_88 : memref<125xi32, #tpu.memory_space<vmem>>)
    %dma_wait3A_92 = arith.constant 0 : i32
    %dma_wait3A_93 = arith.constant 0 : i32
    %dma_wait3A_94 = arith.constant 0 : i32
    %dma_wait3A_95 = arith.constant 0 : i32
    %dma_wait3A_96 = tpu.memref_slice %arg7[%dma_wait3A_94, %dma_wait3A_95] : memref<2x125xi32, #tpu.memory_space<vmem>> -> memref<1x125xi32, #tpu.memory_space<vmem>>
    %dma_wait3A_97 = tpu.memref_squeeze %dma_wait3A_96 : memref<1x125xi32, #tpu.memory_space<vmem>> -> memref<125xi32, #tpu.memory_space<vmem>>
    %dma_wait3A_98 = arith.constant 0 : i32
    %dma_wait3A_99 = tpu.memref_slice %arg3[%dma_wait3A_92, %dma_wait3A_93, %dma_wait3A_98] : memref<32x80x125xi32, #tpu.memory_space<hbm>> -> memref<1x1x125xi32, #tpu.memory_space<hbm>>
    %dma_wait3A_100 = tpu.memref_squeeze %dma_wait3A_99 : memref<1x1x125xi32, #tpu.memory_space<hbm>> -> memref<125xi32, #tpu.memory_space<hbm>>
    %dma_wait3A_101 = arith.constant 0 : i32
    %dma_wait3A_102 = tpu.memref_slice %arg7[%dma_wait3A_94, %dma_wait3A_101] : memref<2x125xi32, #tpu.memory_space<vmem>> -> memref<1x125xi32, #tpu.memory_space<vmem>>
    %dma_wait3A_103 = tpu.memref_squeeze %dma_wait3A_102 : memref<1x125xi32, #tpu.memory_space<vmem>> -> memref<125xi32, #tpu.memory_space<vmem>>
    %dma_wait3A_104 = arith.constant 0 : i32
    %dma_wait3A_105 = tpu.memref_slice %arg3[%dma_wait3A_92, %dma_wait3A_93, %dma_wait3A_104] : memref<32x80x125xi32, #tpu.memory_space<hbm>> -> memref<1x1x125xi32, #tpu.memory_space<hbm>>
    %dma_wait3A_106 = tpu.memref_squeeze %dma_wait3A_105 : memref<1x1x125xi32, #tpu.memory_space<hbm>> -> memref<125xi32, #tpu.memory_space<hbm>>
    tpu.wait_dma2 semaphore(%arg17 : memref<!tpu.dma_semaphore, #tpu.memory_space<semaphore_mem>>) src(%dma_wait3A_106 : memref<125xi32, #tpu.memory_space<hbm>>) dst(%dma_wait3A_103 : memref<125xi32, #tpu.memory_space<vmem>>)
    %barrier3A_107 = arith.constant 0 : index
    tpu.barrier barrier_id(%barrier3A_107)
    %mul3A_108 = arith.constant 632 : i32
    %mul3A_109 = arith.muli %arg1, %mul3A_108 : i32
    %mul3A_110 = arith.constant 632 : i32
    %mul3A_111 = arith.muli %arg1, %mul3A_110 : i32
    "tpu.region"() ({
      %run_scoped3A_112 = tpu.sem_alloc : memref<!tpu.dma_semaphore, #tpu.memory_space<semaphore_mem>>
      %dma_start3A_113 = arith.constant 0 : i32
      %dma_start3A_114 = tpu.memref_slice %arg6[%arg0, %mul3A_111, %dma_start3A_113] : memref<2x10112x128xf32, #tpu.memory_space<hbm>> -> memref<1x632x128xf32, #tpu.memory_space<hbm>>
      %dma_start3A_115 = tpu.memref_squeeze %dma_start3A_114 : memref<1x632x128xf32, #tpu.memory_space<hbm>> -> memref<632x128xf32, #tpu.memory_space<hbm>>
      %dma_start3A_116 = arith.constant 0 : i32
      %dma_start3A_117 = tpu.memref_slice %arg11[%mul3A_109, %dma_start3A_116] : memref<10112x128xf32, #tpu.memory_space<vmem_shared>> -> memref<632x128xf32, #tpu.memory_space<vmem_shared>>
      tpu.enqueue_dma source(%dma_start3A_117 : memref<632x128xf32, #tpu.memory_space<vmem_shared>>) target(%dma_start3A_115 : memref<632x128xf32, #tpu.memory_space<hbm>>) target_semaphore(%run_scoped3A_112 : memref<!tpu.dma_semaphore, #tpu.memory_space<semaphore_mem>>)
      %dma_wait3A_118 = arith.constant 0 : i32
      %dma_wait3A_119 = tpu.memref_slice %arg6[%arg0, %mul3A_111, %dma_wait3A_118] : memref<2x10112x128xf32, #tpu.memory_space<hbm>> -> memref<1x632x128xf32, #tpu.memory_space<hbm>>
      %dma_wait3A_120 = tpu.memref_squeeze %dma_wait3A_119 : memref<1x632x128xf32, #tpu.memory_space<hbm>> -> memref<632x128xf32, #tpu.memory_space<hbm>>
      %dma_wait3A_121 = arith.constant 0 : i32
      %dma_wait3A_122 = tpu.memref_slice %arg11[%mul3A_109, %dma_wait3A_121] : memref<10112x128xf32, #tpu.memory_space<vmem_shared>> -> memref<632x128xf32, #tpu.memory_space<vmem_shared>>
      tpu.wait_dma2 semaphore(%run_scoped3A_112 : memref<!tpu.dma_semaphore, #tpu.memory_space<semaphore_mem>>) src(%dma_wait3A_122 : memref<632x128xf32, #tpu.memory_space<vmem_shared>>) dst(%dma_wait3A_120 : memref<632x128xf32, #tpu.memory_space<hbm>>)
      tpu.yield
    }) : () -> ()
    return
  }
}

#map = affine_map<(d0, d1) -> (0, 0)>
#map1 = affine_map<(d0, d1) -> (0, 0, 0)>
module attributes {stable_mosaic.version = 14 : i64} {
  func.func @deg(%arg0: i32, %arg1: i32, %arg2: memref<125x16xf32, #tpu.memory_space<hbm>>, %arg3: memref<32x80x125xi32, #tpu.memory_space<hbm>>, %arg4: memref<632x16xf32, #tpu.memory_space<hbm>>, %arg5: memref<2x10112x16xf32, #tpu.memory_space<hbm>>, %arg6: memref<80x125xi32, #tpu.memory_space<vmem>>, %arg7: memref<125x16xf32, #tpu.memory_space<vmem>>, %arg8: memref<10112x16xf32, #tpu.memory_space<vmem_shared>>) attributes {dimension_semantics = [#tpu.dimension_semantics<core_parallel>, #tpu.dimension_semantics<subcore_parallel>], iteration_bounds = array<i64: 2, 16>, scalar_prefetch = 0 : i64, scratch_operands = 3 : i64, tpu.core_type = #tpu.core_type<sc_vector_subcore>, window_params = [{transform_indices = #map}, {transform_indices = #map1}, {transform_indices = #map}, {transform_indices = #map1}]} {
    %mul3A = arith.constant 2 : i32
    %mul3A_0 = arith.muli %arg1, %mul3A : i32
    %add3A = arith.addi %mul3A_0, %arg0 : i32
    %mul3A_1 = arith.constant 632 : i32
    %mul3A_2 = arith.muli %arg1, %mul3A_1 : i32
    "tpu.region"() ({
      %run_scoped3A = tpu.sem_alloc : memref<!tpu.dma_semaphore, #tpu.memory_space<semaphore_mem>>
      %dma_start3A = arith.constant 0 : i32
      %dma_start3A_13 = tpu.memref_slice %arg8[%mul3A_2, %dma_start3A] : memref<10112x16xf32, #tpu.memory_space<vmem_shared>> -> memref<632x16xf32, #tpu.memory_space<vmem_shared>>
      tpu.enqueue_dma source(%arg4 : memref<632x16xf32, #tpu.memory_space<hbm>>) target(%dma_start3A_13 : memref<632x16xf32, #tpu.memory_space<vmem_shared>>) target_semaphore(%run_scoped3A : memref<!tpu.dma_semaphore, #tpu.memory_space<semaphore_mem>>)
      %dma_wait3A = arith.constant 0 : i32
      %dma_wait3A_14 = tpu.memref_slice %arg8[%mul3A_2, %dma_wait3A] : memref<10112x16xf32, #tpu.memory_space<vmem_shared>> -> memref<632x16xf32, #tpu.memory_space<vmem_shared>>
      tpu.wait_dma2 semaphore(%run_scoped3A : memref<!tpu.dma_semaphore, #tpu.memory_space<semaphore_mem>>) src(%arg4 : memref<632x16xf32, #tpu.memory_space<hbm>>) dst(%dma_wait3A_14 : memref<632x16xf32, #tpu.memory_space<vmem_shared>>)
      tpu.yield
    }) : () -> ()
    "tpu.region"() ({
      %run_scoped3A = tpu.sem_alloc : memref<!tpu.dma_semaphore, #tpu.memory_space<semaphore_mem>>
      %dma_start3A = arith.constant 0 : i32
      %dma_start3A_13 = arith.constant 0 : i32
      %dma_start3A_14 = tpu.memref_slice %arg3[%add3A, %dma_start3A, %dma_start3A_13] : memref<32x80x125xi32, #tpu.memory_space<hbm>> -> memref<1x80x125xi32, #tpu.memory_space<hbm>>
      %dma_start3A_15 = tpu.memref_squeeze %dma_start3A_14 : memref<1x80x125xi32, #tpu.memory_space<hbm>> -> memref<80x125xi32, #tpu.memory_space<hbm>>
      %dma_start3A_16 = arith.constant 0 : i32
      %dma_start3A_17 = arith.constant 0 : i32
      %dma_start3A_18 = tpu.memref_slice %arg3[%add3A, %dma_start3A_16, %dma_start3A_17] : memref<32x80x125xi32, #tpu.memory_space<hbm>> -> memref<1x80x125xi32, #tpu.memory_space<hbm>>
      %dma_start3A_19 = tpu.memref_squeeze %dma_start3A_18 : memref<1x80x125xi32, #tpu.memory_space<hbm>> -> memref<80x125xi32, #tpu.memory_space<hbm>>
      tpu.enqueue_dma source(%dma_start3A_19 : memref<80x125xi32, #tpu.memory_space<hbm>>) target(%arg6 : memref<80x125xi32, #tpu.memory_space<vmem>>) target_semaphore(%run_scoped3A : memref<!tpu.dma_semaphore, #tpu.memory_space<semaphore_mem>>)
      %dma_wait3A = arith.constant 0 : i32
      %dma_wait3A_20 = arith.constant 0 : i32
      %dma_wait3A_21 = tpu.memref_slice %arg3[%add3A, %dma_wait3A, %dma_wait3A_20] : memref<32x80x125xi32, #tpu.memory_space<hbm>> -> memref<1x80x125xi32, #tpu.memory_space<hbm>>
      %dma_wait3A_22 = tpu.memref_squeeze %dma_wait3A_21 : memref<1x80x125xi32, #tpu.memory_space<hbm>> -> memref<80x125xi32, #tpu.memory_space<hbm>>
      %dma_wait3A_23 = arith.constant 0 : i32
      %dma_wait3A_24 = arith.constant 0 : i32
      %dma_wait3A_25 = tpu.memref_slice %arg3[%add3A, %dma_wait3A_23, %dma_wait3A_24] : memref<32x80x125xi32, #tpu.memory_space<hbm>> -> memref<1x80x125xi32, #tpu.memory_space<hbm>>
      %dma_wait3A_26 = tpu.memref_squeeze %dma_wait3A_25 : memref<1x80x125xi32, #tpu.memory_space<hbm>> -> memref<80x125xi32, #tpu.memory_space<hbm>>
      tpu.wait_dma2 semaphore(%run_scoped3A : memref<!tpu.dma_semaphore, #tpu.memory_space<semaphore_mem>>) src(%dma_wait3A_26 : memref<80x125xi32, #tpu.memory_space<hbm>>) dst(%arg6 : memref<80x125xi32, #tpu.memory_space<vmem>>)
      tpu.yield
    }) : () -> ()
    "tpu.region"() ({
      %run_scoped3A = tpu.sem_alloc : memref<!tpu.dma_semaphore, #tpu.memory_space<semaphore_mem>>
      tpu.enqueue_dma source(%arg2 : memref<125x16xf32, #tpu.memory_space<hbm>>) target(%arg7 : memref<125x16xf32, #tpu.memory_space<vmem>>) target_semaphore(%run_scoped3A : memref<!tpu.dma_semaphore, #tpu.memory_space<semaphore_mem>>)
      tpu.wait_dma2 semaphore(%run_scoped3A : memref<!tpu.dma_semaphore, #tpu.memory_space<semaphore_mem>>) src(%arg2 : memref<125x16xf32, #tpu.memory_space<hbm>>) dst(%arg7 : memref<125x16xf32, #tpu.memory_space<vmem>>)
      tpu.yield
    }) : () -> ()
    %barrier3A = arith.constant 0 : index
    tpu.barrier barrier_id(%barrier3A)
    %scan3A = arith.constant 0 : i32
    %scan3A_3 = arith.constant 0 : i32
    %scan3A_4 = arith.constant 80 : i32
    %scan3A_5 = arith.addi %scan3A_3, %scan3A_4 : i32
    %scan3A_6 = arith.constant 1 : i32
    scf.for %scan3A_13 = %scan3A_3 to %scan3A_5 step %scan3A_6  : i32 {
      "tpu.region"() ({
        %run_scoped3A = tpu.sem_alloc : memref<!tpu.dma_semaphore, #tpu.memory_space<semaphore_mem>>
        %dma_start3A = arith.constant 0 : i32
        %dma_start3A_14 = tpu.memref_slice %arg6[%scan3A_13, %dma_start3A] : memref<80x125xi32, #tpu.memory_space<vmem>> -> memref<1x125xi32, #tpu.memory_space<vmem>>
        %dma_start3A_15 = tpu.memref_squeeze %dma_start3A_14 : memref<1x125xi32, #tpu.memory_space<vmem>> -> memref<125xi32, #tpu.memory_space<vmem>>
        %dma_start3A_16 = arith.constant 0 : i32
        %dma_start3A_17 = arith.constant 0 : i32
        %dma_start3A_18 = tpu.memref_slice %arg8[%dma_start3A_16, %dma_start3A_17] : memref<10112x16xf32, #tpu.memory_space<vmem_shared>> -> memref<10112x16xf32, #tpu.memory_space<vmem_shared>>
        tpu.enqueue_indirect_dma source(%arg7 : memref<125x16xf32, #tpu.memory_space<vmem>>) target(%dma_start3A_18 : memref<10112x16xf32, #tpu.memory_space<vmem_shared>>) offsets(%dma_start3A_15 : memref<125xi32, #tpu.memory_space<vmem>>) semaphore(%run_scoped3A : memref<!tpu.dma_semaphore, #tpu.memory_space<semaphore_mem>>) {add = true}
        %dma_wait3A = arith.constant 0 : i32
        %dma_wait3A_19 = tpu.memref_slice %arg6[%scan3A_13, %dma_wait3A] : memref<80x125xi32, #tpu.memory_space<vmem>> -> memref<1x125xi32, #tpu.memory_space<vmem>>
        %dma_wait3A_20 = tpu.memref_squeeze %dma_wait3A_19 : memref<1x125xi32, #tpu.memory_space<vmem>> -> memref<125xi32, #tpu.memory_space<vmem>>
        %dma_wait3A_21 = arith.constant 0 : i32
        %dma_wait3A_22 = arith.constant 0 : i32
        %dma_wait3A_23 = tpu.memref_slice %arg8[%dma_wait3A_21, %dma_wait3A_22] : memref<10112x16xf32, #tpu.memory_space<vmem_shared>> -> memref<10112x16xf32, #tpu.memory_space<vmem_shared>>
        tpu.wait_indirect_dma semaphore(%run_scoped3A : memref<!tpu.dma_semaphore, #tpu.memory_space<semaphore_mem>>) src(%arg7 : memref<125x16xf32, #tpu.memory_space<vmem>>) dst(%dma_wait3A_23 : memref<10112x16xf32, #tpu.memory_space<vmem_shared>>)
        tpu.yield
      }) : () -> ()
    }
    %scan3A_7 = arith.constant 80 : i32
    %barrier3A_8 = arith.constant 0 : index
    tpu.barrier barrier_id(%barrier3A_8)
    %mul3A_9 = arith.constant 632 : i32
    %mul3A_10 = arith.muli %arg1, %mul3A_9 : i32
    %mul3A_11 = arith.constant 632 : i32
    %mul3A_12 = arith.muli %arg1, %mul3A_11 : i32
    "tpu.region"() ({
      %run_scoped3A = tpu.sem_alloc : memref<!tpu.dma_semaphore, #tpu.memory_space<semaphore_mem>>
      %dma_start3A = arith.constant 0 : i32
      %dma_start3A_13 = tpu.memref_slice %arg5[%arg0, %mul3A_12, %dma_start3A] : memref<2x10112x16xf32, #tpu.memory_space<hbm>> -> memref<1x632x16xf32, #tpu.memory_space<hbm>>
      %dma_start3A_14 = tpu.memref_squeeze %dma_start3A_13 : memref<1x632x16xf32, #tpu.memory_space<hbm>> -> memref<632x16xf32, #tpu.memory_space<hbm>>
      %dma_start3A_15 = arith.constant 0 : i32
      %dma_start3A_16 = tpu.memref_slice %arg8[%mul3A_10, %dma_start3A_15] : memref<10112x16xf32, #tpu.memory_space<vmem_shared>> -> memref<632x16xf32, #tpu.memory_space<vmem_shared>>
      tpu.enqueue_dma source(%dma_start3A_16 : memref<632x16xf32, #tpu.memory_space<vmem_shared>>) target(%dma_start3A_14 : memref<632x16xf32, #tpu.memory_space<hbm>>) target_semaphore(%run_scoped3A : memref<!tpu.dma_semaphore, #tpu.memory_space<semaphore_mem>>)
      %dma_wait3A = arith.constant 0 : i32
      %dma_wait3A_17 = tpu.memref_slice %arg5[%arg0, %mul3A_12, %dma_wait3A] : memref<2x10112x16xf32, #tpu.memory_space<hbm>> -> memref<1x632x16xf32, #tpu.memory_space<hbm>>
      %dma_wait3A_18 = tpu.memref_squeeze %dma_wait3A_17 : memref<1x632x16xf32, #tpu.memory_space<hbm>> -> memref<632x16xf32, #tpu.memory_space<hbm>>
      %dma_wait3A_19 = arith.constant 0 : i32
      %dma_wait3A_20 = tpu.memref_slice %arg8[%mul3A_10, %dma_wait3A_19] : memref<10112x16xf32, #tpu.memory_space<vmem_shared>> -> memref<632x16xf32, #tpu.memory_space<vmem_shared>>
      tpu.wait_dma2 semaphore(%run_scoped3A : memref<!tpu.dma_semaphore, #tpu.memory_space<semaphore_mem>>) src(%dma_wait3A_20 : memref<632x16xf32, #tpu.memory_space<vmem_shared>>) dst(%dma_wait3A_18 : memref<632x16xf32, #tpu.memory_space<hbm>>)
      tpu.yield
    }) : () -> ()
    return
  }
}

#map = affine_map<(d0, d1) -> (0, 0)>
#map1 = affine_map<(d0, d1) -> (0, 0, 0)>
module attributes {stable_mosaic.version = 14 : i64} {
  func.func @agg(%arg0: i32, %arg1: i32, %arg2: memref<10000x64xf32, #tpu.memory_space<hbm>>, %arg3: memref<32x80x125xi32, #tpu.memory_space<hbm>>, %arg4: memref<32x80x125xi32, #tpu.memory_space<hbm>>, %arg5: memref<632x64xf32, #tpu.memory_space<hbm>>, %arg6: memref<2x10112x64xf32, #tpu.memory_space<hbm>>, %arg7: memref<80x125xi32, #tpu.memory_space<vmem>>, %arg8: memref<80x125xi32, #tpu.memory_space<vmem>>, %arg9: memref<125x64xf32, #tpu.memory_space<vmem>>, %arg10: memref<125x64xf32, #tpu.memory_space<vmem>>, %arg11: memref<10112x64xf32, #tpu.memory_space<vmem_shared>>, %arg12: memref<!tpu.dma_semaphore, #tpu.memory_space<semaphore_mem>>, %arg13: memref<!tpu.dma_semaphore, #tpu.memory_space<semaphore_mem>>) attributes {dimension_semantics = [#tpu.dimension_semantics<core_parallel>, #tpu.dimension_semantics<subcore_parallel>], iteration_bounds = array<i64: 2, 16>, scalar_prefetch = 0 : i64, scratch_operands = 7 : i64, tpu.core_type = #tpu.core_type<sc_vector_subcore>, window_params = [{transform_indices = #map}, {transform_indices = #map1}, {transform_indices = #map1}, {transform_indices = #map}, {transform_indices = #map1}]} {
    %mul3A = arith.constant 2 : i32
    %mul3A_0 = arith.muli %arg1, %mul3A : i32
    %add3A = arith.addi %mul3A_0, %arg0 : i32
    %mul3A_1 = arith.constant 632 : i32
    %mul3A_2 = arith.muli %arg1, %mul3A_1 : i32
    "tpu.region"() ({
      %run_scoped3A = tpu.sem_alloc : memref<!tpu.dma_semaphore, #tpu.memory_space<semaphore_mem>>
      %dma_start3A_24 = arith.constant 0 : i32
      %dma_start3A_25 = tpu.memref_slice %arg11[%mul3A_2, %dma_start3A_24] : memref<10112x64xf32, #tpu.memory_space<vmem_shared>> -> memref<632x64xf32, #tpu.memory_space<vmem_shared>>
      tpu.enqueue_dma source(%arg5 : memref<632x64xf32, #tpu.memory_space<hbm>>) target(%dma_start3A_25 : memref<632x64xf32, #tpu.memory_space<vmem_shared>>) target_semaphore(%run_scoped3A : memref<!tpu.dma_semaphore, #tpu.memory_space<semaphore_mem>>)
      %dma_wait3A_26 = arith.constant 0 : i32
      %dma_wait3A_27 = tpu.memref_slice %arg11[%mul3A_2, %dma_wait3A_26] : memref<10112x64xf32, #tpu.memory_space<vmem_shared>> -> memref<632x64xf32, #tpu.memory_space<vmem_shared>>
      tpu.wait_dma2 semaphore(%run_scoped3A : memref<!tpu.dma_semaphore, #tpu.memory_space<semaphore_mem>>) src(%arg5 : memref<632x64xf32, #tpu.memory_space<hbm>>) dst(%dma_wait3A_27 : memref<632x64xf32, #tpu.memory_space<vmem_shared>>)
      tpu.yield
    }) : () -> ()
    "tpu.region"() ({
      %run_scoped3A = tpu.sem_alloc : memref<!tpu.dma_semaphore, #tpu.memory_space<semaphore_mem>>
      %dma_start3A_24 = arith.constant 0 : i32
      %dma_start3A_25 = arith.constant 0 : i32
      %dma_start3A_26 = tpu.memref_slice %arg3[%add3A, %dma_start3A_24, %dma_start3A_25] : memref<32x80x125xi32, #tpu.memory_space<hbm>> -> memref<1x80x125xi32, #tpu.memory_space<hbm>>
      %dma_start3A_27 = tpu.memref_squeeze %dma_start3A_26 : memref<1x80x125xi32, #tpu.memory_space<hbm>> -> memref<80x125xi32, #tpu.memory_space<hbm>>
      %dma_start3A_28 = arith.constant 0 : i32
      %dma_start3A_29 = arith.constant 0 : i32
      %dma_start3A_30 = tpu.memref_slice %arg3[%add3A, %dma_start3A_28, %dma_start3A_29] : memref<32x80x125xi32, #tpu.memory_space<hbm>> -> memref<1x80x125xi32, #tpu.memory_space<hbm>>
      %dma_start3A_31 = tpu.memref_squeeze %dma_start3A_30 : memref<1x80x125xi32, #tpu.memory_space<hbm>> -> memref<80x125xi32, #tpu.memory_space<hbm>>
      tpu.enqueue_dma source(%dma_start3A_31 : memref<80x125xi32, #tpu.memory_space<hbm>>) target(%arg7 : memref<80x125xi32, #tpu.memory_space<vmem>>) target_semaphore(%run_scoped3A : memref<!tpu.dma_semaphore, #tpu.memory_space<semaphore_mem>>)
      %dma_wait3A_32 = arith.constant 0 : i32
      %dma_wait3A_33 = arith.constant 0 : i32
      %dma_wait3A_34 = tpu.memref_slice %arg3[%add3A, %dma_wait3A_32, %dma_wait3A_33] : memref<32x80x125xi32, #tpu.memory_space<hbm>> -> memref<1x80x125xi32, #tpu.memory_space<hbm>>
      %dma_wait3A_35 = tpu.memref_squeeze %dma_wait3A_34 : memref<1x80x125xi32, #tpu.memory_space<hbm>> -> memref<80x125xi32, #tpu.memory_space<hbm>>
      %dma_wait3A_36 = arith.constant 0 : i32
      %dma_wait3A_37 = arith.constant 0 : i32
      %dma_wait3A_38 = tpu.memref_slice %arg3[%add3A, %dma_wait3A_36, %dma_wait3A_37] : memref<32x80x125xi32, #tpu.memory_space<hbm>> -> memref<1x80x125xi32, #tpu.memory_space<hbm>>
      %dma_wait3A_39 = tpu.memref_squeeze %dma_wait3A_38 : memref<1x80x125xi32, #tpu.memory_space<hbm>> -> memref<80x125xi32, #tpu.memory_space<hbm>>
      tpu.wait_dma2 semaphore(%run_scoped3A : memref<!tpu.dma_semaphore, #tpu.memory_space<semaphore_mem>>) src(%dma_wait3A_39 : memref<80x125xi32, #tpu.memory_space<hbm>>) dst(%arg7 : memref<80x125xi32, #tpu.memory_space<vmem>>)
      tpu.yield
    }) : () -> ()
    "tpu.region"() ({
      %run_scoped3A = tpu.sem_alloc : memref<!tpu.dma_semaphore, #tpu.memory_space<semaphore_mem>>
      %dma_start3A_24 = arith.constant 0 : i32
      %dma_start3A_25 = arith.constant 0 : i32
      %dma_start3A_26 = tpu.memref_slice %arg4[%add3A, %dma_start3A_24, %dma_start3A_25] : memref<32x80x125xi32, #tpu.memory_space<hbm>> -> memref<1x80x125xi32, #tpu.memory_space<hbm>>
      %dma_start3A_27 = tpu.memref_squeeze %dma_start3A_26 : memref<1x80x125xi32, #tpu.memory_space<hbm>> -> memref<80x125xi32, #tpu.memory_space<hbm>>
      %dma_start3A_28 = arith.constant 0 : i32
      %dma_start3A_29 = arith.constant 0 : i32
      %dma_start3A_30 = tpu.memref_slice %arg4[%add3A, %dma_start3A_28, %dma_start3A_29] : memref<32x80x125xi32, #tpu.memory_space<hbm>> -> memref<1x80x125xi32, #tpu.memory_space<hbm>>
      %dma_start3A_31 = tpu.memref_squeeze %dma_start3A_30 : memref<1x80x125xi32, #tpu.memory_space<hbm>> -> memref<80x125xi32, #tpu.memory_space<hbm>>
      tpu.enqueue_dma source(%dma_start3A_31 : memref<80x125xi32, #tpu.memory_space<hbm>>) target(%arg8 : memref<80x125xi32, #tpu.memory_space<vmem>>) target_semaphore(%run_scoped3A : memref<!tpu.dma_semaphore, #tpu.memory_space<semaphore_mem>>)
      %dma_wait3A_32 = arith.constant 0 : i32
      %dma_wait3A_33 = arith.constant 0 : i32
      %dma_wait3A_34 = tpu.memref_slice %arg4[%add3A, %dma_wait3A_32, %dma_wait3A_33] : memref<32x80x125xi32, #tpu.memory_space<hbm>> -> memref<1x80x125xi32, #tpu.memory_space<hbm>>
      %dma_wait3A_35 = tpu.memref_squeeze %dma_wait3A_34 : memref<1x80x125xi32, #tpu.memory_space<hbm>> -> memref<80x125xi32, #tpu.memory_space<hbm>>
      %dma_wait3A_36 = arith.constant 0 : i32
      %dma_wait3A_37 = arith.constant 0 : i32
      %dma_wait3A_38 = tpu.memref_slice %arg4[%add3A, %dma_wait3A_36, %dma_wait3A_37] : memref<32x80x125xi32, #tpu.memory_space<hbm>> -> memref<1x80x125xi32, #tpu.memory_space<hbm>>
      %dma_wait3A_39 = tpu.memref_squeeze %dma_wait3A_38 : memref<1x80x125xi32, #tpu.memory_space<hbm>> -> memref<80x125xi32, #tpu.memory_space<hbm>>
      tpu.wait_dma2 semaphore(%run_scoped3A : memref<!tpu.dma_semaphore, #tpu.memory_space<semaphore_mem>>) src(%dma_wait3A_39 : memref<80x125xi32, #tpu.memory_space<hbm>>) dst(%arg8 : memref<80x125xi32, #tpu.memory_space<vmem>>)
      tpu.yield
    }) : () -> ()
    %barrier3A = arith.constant 0 : index
    tpu.barrier barrier_id(%barrier3A)
    %dma_start3A = arith.constant 0 : i32
    %dma_start3A_3 = arith.constant 0 : i32
    %dma_start3A_4 = tpu.memref_slice %arg7[%dma_start3A, %dma_start3A_3] : memref<80x125xi32, #tpu.memory_space<vmem>> -> memref<1x125xi32, #tpu.memory_space<vmem>>
    %dma_start3A_5 = tpu.memref_squeeze %dma_start3A_4 : memref<1x125xi32, #tpu.memory_space<vmem>> -> memref<125xi32, #tpu.memory_space<vmem>>
    %dma_start3A_6 = arith.constant 0 : i32
    %dma_start3A_7 = arith.constant 0 : i32
    %dma_start3A_8 = tpu.memref_slice %arg2[%dma_start3A_6, %dma_start3A_7] : memref<10000x64xf32, #tpu.memory_space<hbm>> -> memref<10000x64xf32, #tpu.memory_space<hbm>>
    tpu.enqueue_indirect_dma source(%dma_start3A_8 : memref<10000x64xf32, #tpu.memory_space<hbm>>) target(%arg9 : memref<125x64xf32, #tpu.memory_space<vmem>>) offsets(%dma_start3A_5 : memref<125xi32, #tpu.memory_space<vmem>>) semaphore(%arg12 : memref<!tpu.dma_semaphore, #tpu.memory_space<semaphore_mem>>)
    %scan3A = arith.constant 0 : i32
    %scan3A_9 = arith.constant 0 : i32
    %scan3A_10 = arith.constant 40 : i32
    %scan3A_11 = arith.addi %scan3A_9, %scan3A_10 : i32
    %scan3A_12 = arith.constant 1 : i32
    scf.for %scan3A_24 = %scan3A_9 to %scan3A_11 step %scan3A_12  : i32 {
      %mul3A_25 = arith.constant 2 : i32
      %mul3A_26 = arith.muli %mul3A_25, %scan3A_24 : i32
      %add3A_27 = arith.constant 1 : i32
      %add3A_28 = arith.addi %mul3A_26, %add3A_27 : i32
      %dma_start3A_29 = arith.constant 0 : i32
      %dma_start3A_30 = tpu.memref_slice %arg7[%add3A_28, %dma_start3A_29] : memref<80x125xi32, #tpu.memory_space<vmem>> -> memref<1x125xi32, #tpu.memory_space<vmem>>
      %dma_start3A_31 = tpu.memref_squeeze %dma_start3A_30 : memref<1x125xi32, #tpu.memory_space<vmem>> -> memref<125xi32, #tpu.memory_space<vmem>>
      %dma_start3A_32 = arith.constant 0 : i32
      %dma_start3A_33 = arith.constant 0 : i32
      %dma_start3A_34 = tpu.memref_slice %arg2[%dma_start3A_32, %dma_start3A_33] : memref<10000x64xf32, #tpu.memory_space<hbm>> -> memref<10000x64xf32, #tpu.memory_space<hbm>>
      tpu.enqueue_indirect_dma source(%dma_start3A_34 : memref<10000x64xf32, #tpu.memory_space<hbm>>) target(%arg10 : memref<125x64xf32, #tpu.memory_space<vmem>>) offsets(%dma_start3A_31 : memref<125xi32, #tpu.memory_space<vmem>>) semaphore(%arg13 : memref<!tpu.dma_semaphore, #tpu.memory_space<semaphore_mem>>)
      %dma_wait3A_35 = arith.constant 0 : i32
      %dma_wait3A_36 = arith.constant 0 : i32
      %dma_wait3A_37 = tpu.memref_slice %arg2[%dma_wait3A_35, %dma_wait3A_36] : memref<10000x64xf32, #tpu.memory_space<hbm>> -> memref<125x64xf32, #tpu.memory_space<hbm>>
      %dma_wait3A_38 = arith.constant 0 : i32
      %dma_wait3A_39 = arith.constant 0 : i32
      %dma_wait3A_40 = tpu.memref_slice %arg2[%dma_wait3A_38, %dma_wait3A_39] : memref<10000x64xf32, #tpu.memory_space<hbm>> -> memref<125x64xf32, #tpu.memory_space<hbm>>
      tpu.wait_dma2 semaphore(%arg12 : memref<!tpu.dma_semaphore, #tpu.memory_space<semaphore_mem>>) src(%dma_wait3A_40 : memref<125x64xf32, #tpu.memory_space<hbm>>) dst(%arg9 : memref<125x64xf32, #tpu.memory_space<vmem>>)
      "tpu.region"() ({
        %run_scoped3A = tpu.sem_alloc : memref<!tpu.dma_semaphore, #tpu.memory_space<semaphore_mem>>
        %dma_start3A_56 = arith.constant 0 : i32
        %dma_start3A_57 = tpu.memref_slice %arg8[%mul3A_26, %dma_start3A_56] : memref<80x125xi32, #tpu.memory_space<vmem>> -> memref<1x125xi32, #tpu.memory_space<vmem>>
        %dma_start3A_58 = tpu.memref_squeeze %dma_start3A_57 : memref<1x125xi32, #tpu.memory_space<vmem>> -> memref<125xi32, #tpu.memory_space<vmem>>
        %dma_start3A_59 = arith.constant 0 : i32
        %dma_start3A_60 = arith.constant 0 : i32
        %dma_start3A_61 = tpu.memref_slice %arg11[%dma_start3A_59, %dma_start3A_60] : memref<10112x64xf32, #tpu.memory_space<vmem_shared>> -> memref<10112x64xf32, #tpu.memory_space<vmem_shared>>
        tpu.enqueue_indirect_dma source(%arg9 : memref<125x64xf32, #tpu.memory_space<vmem>>) target(%dma_start3A_61 : memref<10112x64xf32, #tpu.memory_space<vmem_shared>>) offsets(%dma_start3A_58 : memref<125xi32, #tpu.memory_space<vmem>>) semaphore(%run_scoped3A : memref<!tpu.dma_semaphore, #tpu.memory_space<semaphore_mem>>) {add = true}
        %dma_wait3A_62 = arith.constant 0 : i32
        %dma_wait3A_63 = tpu.memref_slice %arg8[%mul3A_26, %dma_wait3A_62] : memref<80x125xi32, #tpu.memory_space<vmem>> -> memref<1x125xi32, #tpu.memory_space<vmem>>
        %dma_wait3A_64 = tpu.memref_squeeze %dma_wait3A_63 : memref<1x125xi32, #tpu.memory_space<vmem>> -> memref<125xi32, #tpu.memory_space<vmem>>
        %dma_wait3A_65 = arith.constant 0 : i32
        %dma_wait3A_66 = arith.constant 0 : i32
        %dma_wait3A_67 = tpu.memref_slice %arg11[%dma_wait3A_65, %dma_wait3A_66] : memref<10112x64xf32, #tpu.memory_space<vmem_shared>> -> memref<10112x64xf32, #tpu.memory_space<vmem_shared>>
        tpu.wait_indirect_dma semaphore(%run_scoped3A : memref<!tpu.dma_semaphore, #tpu.memory_space<semaphore_mem>>) src(%arg9 : memref<125x64xf32, #tpu.memory_space<vmem>>) dst(%dma_wait3A_67 : memref<10112x64xf32, #tpu.memory_space<vmem_shared>>)
        tpu.yield
      }) : () -> ()
      %add3A_41 = arith.constant 1 : i32
      %add3A_42 = arith.addi %add3A_28, %add3A_41 : i32
      %min3A = arith.constant 79 : i32
      %min3A_43 = arith.minsi %add3A_42, %min3A : i32
      %dma_start3A_44 = arith.constant 0 : i32
      %dma_start3A_45 = tpu.memref_slice %arg7[%min3A_43, %dma_start3A_44] : memref<80x125xi32, #tpu.memory_space<vmem>> -> memref<1x125xi32, #tpu.memory_space<vmem>>
      %dma_start3A_46 = tpu.memref_squeeze %dma_start3A_45 : memref<1x125xi32, #tpu.memory_space<vmem>> -> memref<125xi32, #tpu.memory_space<vmem>>
      %dma_start3A_47 = arith.constant 0 : i32
      %dma_start3A_48 = arith.constant 0 : i32
      %dma_start3A_49 = tpu.memref_slice %arg2[%dma_start3A_47, %dma_start3A_48] : memref<10000x64xf32, #tpu.memory_space<hbm>> -> memref<10000x64xf32, #tpu.memory_space<hbm>>
      tpu.enqueue_indirect_dma source(%dma_start3A_49 : memref<10000x64xf32, #tpu.memory_space<hbm>>) target(%arg9 : memref<125x64xf32, #tpu.memory_space<vmem>>) offsets(%dma_start3A_46 : memref<125xi32, #tpu.memory_space<vmem>>) semaphore(%arg12 : memref<!tpu.dma_semaphore, #tpu.memory_space<semaphore_mem>>)
      %dma_wait3A_50 = arith.constant 0 : i32
      %dma_wait3A_51 = arith.constant 0 : i32
      %dma_wait3A_52 = tpu.memref_slice %arg2[%dma_wait3A_50, %dma_wait3A_51] : memref<10000x64xf32, #tpu.memory_space<hbm>> -> memref<125x64xf32, #tpu.memory_space<hbm>>
      %dma_wait3A_53 = arith.constant 0 : i32
      %dma_wait3A_54 = arith.constant 0 : i32
      %dma_wait3A_55 = tpu.memref_slice %arg2[%dma_wait3A_53, %dma_wait3A_54] : memref<10000x64xf32, #tpu.memory_space<hbm>> -> memref<125x64xf32, #tpu.memory_space<hbm>>
      tpu.wait_dma2 semaphore(%arg13 : memref<!tpu.dma_semaphore, #tpu.memory_space<semaphore_mem>>) src(%dma_wait3A_55 : memref<125x64xf32, #tpu.memory_space<hbm>>) dst(%arg10 : memref<125x64xf32, #tpu.memory_space<vmem>>)
      "tpu.region"() ({
        %run_scoped3A = tpu.sem_alloc : memref<!tpu.dma_semaphore, #tpu.memory_space<semaphore_mem>>
        %dma_start3A_56 = arith.constant 0 : i32
        %dma_start3A_57 = tpu.memref_slice %arg8[%add3A_28, %dma_start3A_56] : memref<80x125xi32, #tpu.memory_space<vmem>> -> memref<1x125xi32, #tpu.memory_space<vmem>>
        %dma_start3A_58 = tpu.memref_squeeze %dma_start3A_57 : memref<1x125xi32, #tpu.memory_space<vmem>> -> memref<125xi32, #tpu.memory_space<vmem>>
        %dma_start3A_59 = arith.constant 0 : i32
        %dma_start3A_60 = arith.constant 0 : i32
        %dma_start3A_61 = tpu.memref_slice %arg11[%dma_start3A_59, %dma_start3A_60] : memref<10112x64xf32, #tpu.memory_space<vmem_shared>> -> memref<10112x64xf32, #tpu.memory_space<vmem_shared>>
        tpu.enqueue_indirect_dma source(%arg10 : memref<125x64xf32, #tpu.memory_space<vmem>>) target(%dma_start3A_61 : memref<10112x64xf32, #tpu.memory_space<vmem_shared>>) offsets(%dma_start3A_58 : memref<125xi32, #tpu.memory_space<vmem>>) semaphore(%run_scoped3A : memref<!tpu.dma_semaphore, #tpu.memory_space<semaphore_mem>>) {add = true}
        %dma_wait3A_62 = arith.constant 0 : i32
        %dma_wait3A_63 = tpu.memref_slice %arg8[%add3A_28, %dma_wait3A_62] : memref<80x125xi32, #tpu.memory_space<vmem>> -> memref<1x125xi32, #tpu.memory_space<vmem>>
        %dma_wait3A_64 = tpu.memref_squeeze %dma_wait3A_63 : memref<1x125xi32, #tpu.memory_space<vmem>> -> memref<125xi32, #tpu.memory_space<vmem>>
        %dma_wait3A_65 = arith.constant 0 : i32
        %dma_wait3A_66 = arith.constant 0 : i32
        %dma_wait3A_67 = tpu.memref_slice %arg11[%dma_wait3A_65, %dma_wait3A_66] : memref<10112x64xf32, #tpu.memory_space<vmem_shared>> -> memref<10112x64xf32, #tpu.memory_space<vmem_shared>>
        tpu.wait_indirect_dma semaphore(%run_scoped3A : memref<!tpu.dma_semaphore, #tpu.memory_space<semaphore_mem>>) src(%arg10 : memref<125x64xf32, #tpu.memory_space<vmem>>) dst(%dma_wait3A_67 : memref<10112x64xf32, #tpu.memory_space<vmem_shared>>)
        tpu.yield
      }) : () -> ()
    }
    %scan3A_13 = arith.constant 40 : i32
    %dma_wait3A = arith.constant 0 : i32
    %dma_wait3A_14 = arith.constant 0 : i32
    %dma_wait3A_15 = tpu.memref_slice %arg2[%dma_wait3A, %dma_wait3A_14] : memref<10000x64xf32, #tpu.memory_space<hbm>> -> memref<125x64xf32, #tpu.memory_space<hbm>>
    %dma_wait3A_16 = arith.constant 0 : i32
    %dma_wait3A_17 = arith.constant 0 : i32
    %dma_wait3A_18 = tpu.memref_slice %arg2[%dma_wait3A_16, %dma_wait3A_17] : memref<10000x64xf32, #tpu.memory_space<hbm>> -> memref<125x64xf32, #tpu.memory_space<hbm>>
    tpu.wait_dma2 semaphore(%arg12 : memref<!tpu.dma_semaphore, #tpu.memory_space<semaphore_mem>>) src(%dma_wait3A_18 : memref<125x64xf32, #tpu.memory_space<hbm>>) dst(%arg9 : memref<125x64xf32, #tpu.memory_space<vmem>>)
    %barrier3A_19 = arith.constant 0 : index
    tpu.barrier barrier_id(%barrier3A_19)
    %mul3A_20 = arith.constant 632 : i32
    %mul3A_21 = arith.muli %arg1, %mul3A_20 : i32
    %mul3A_22 = arith.constant 632 : i32
    %mul3A_23 = arith.muli %arg1, %mul3A_22 : i32
    "tpu.region"() ({
      %run_scoped3A = tpu.sem_alloc : memref<!tpu.dma_semaphore, #tpu.memory_space<semaphore_mem>>
      %dma_start3A_24 = arith.constant 0 : i32
      %dma_start3A_25 = tpu.memref_slice %arg6[%arg0, %mul3A_23, %dma_start3A_24] : memref<2x10112x64xf32, #tpu.memory_space<hbm>> -> memref<1x632x64xf32, #tpu.memory_space<hbm>>
      %dma_start3A_26 = tpu.memref_squeeze %dma_start3A_25 : memref<1x632x64xf32, #tpu.memory_space<hbm>> -> memref<632x64xf32, #tpu.memory_space<hbm>>
      %dma_start3A_27 = arith.constant 0 : i32
      %dma_start3A_28 = tpu.memref_slice %arg11[%mul3A_21, %dma_start3A_27] : memref<10112x64xf32, #tpu.memory_space<vmem_shared>> -> memref<632x64xf32, #tpu.memory_space<vmem_shared>>
      tpu.enqueue_dma source(%dma_start3A_28 : memref<632x64xf32, #tpu.memory_space<vmem_shared>>) target(%dma_start3A_26 : memref<632x64xf32, #tpu.memory_space<hbm>>) target_semaphore(%run_scoped3A : memref<!tpu.dma_semaphore, #tpu.memory_space<semaphore_mem>>)
      %dma_wait3A_29 = arith.constant 0 : i32
      %dma_wait3A_30 = tpu.memref_slice %arg6[%arg0, %mul3A_23, %dma_wait3A_29] : memref<2x10112x64xf32, #tpu.memory_space<hbm>> -> memref<1x632x64xf32, #tpu.memory_space<hbm>>
      %dma_wait3A_31 = tpu.memref_squeeze %dma_wait3A_30 : memref<1x632x64xf32, #tpu.memory_space<hbm>> -> memref<632x64xf32, #tpu.memory_space<hbm>>
      %dma_wait3A_32 = arith.constant 0 : i32
      %dma_wait3A_33 = tpu.memref_slice %arg11[%mul3A_21, %dma_wait3A_32] : memref<10112x64xf32, #tpu.memory_space<vmem_shared>> -> memref<632x64xf32, #tpu.memory_space<vmem_shared>>
      tpu.wait_dma2 semaphore(%run_scoped3A : memref<!tpu.dma_semaphore, #tpu.memory_space<semaphore_mem>>) src(%dma_wait3A_33 : memref<632x64xf32, #tpu.memory_space<vmem_shared>>) dst(%dma_wait3A_31 : memref<632x64xf32, #tpu.memory_space<hbm>>)
      tpu.yield
    }) : () -> ()
    return
  }
}

module attributes {stable_mosaic.version = 14 : i64} {
  func.func @_l1_body(%arg0: i32, %arg1: memref<5000x16xf32, #tpu.memory_space<vmem>>, %arg2: memref<5000x16xf32, #tpu.memory_space<vmem>>, %arg3: memref<5000x128xf32, #tpu.memory_space<vmem>>, %arg4: memref<128x128xf32, #tpu.memory_space<vmem>>, %arg5: memref<5000x128xf32, #tpu.memory_space<vmem>>, %arg6: memref<5000x1xf32, #tpu.memory_space<vmem>>) attributes {dimension_semantics = [#tpu.dimension_semantics<arbitrary>], iteration_bounds = array<i64: 2>, scalar_prefetch = 0 : i64, scratch_operands = 0 : i64, tpu.core_type = #tpu.core_type<tc>, window_params = [{transform_indices = @transform_0, window_bounds = array<i64: 5000, 16>}, {transform_indices = @transform_1, window_bounds = array<i64: 5000, 16>}, {transform_indices = @transform_2, window_bounds = array<i64: 5000, 128>}, {pipeline_mode = #tpu.pipeline_mode<synchronous>, transform_indices = @transform_3, window_bounds = array<i64: 128, 128>}, {transform_indices = @transform_4, window_bounds = array<i64: 5000, 128>}, {transform_indices = @transform_5, window_bounds = array<i64: 5000, 1>}]} {
    %get3A = arith.constant 0 : index
    %get3A_0 = arith.constant 0 : index
    %get3A_1 = vector.load %arg1[%get3A, %get3A_0] : memref<5000x16xf32, #tpu.memory_space<vmem>>, vector<5000x16xf32>
    %get3A_2 = arith.constant 0 : index
    %get3A_3 = arith.constant 0 : index
    %get3A_4 = vector.load %arg2[%get3A_2, %get3A_3] : memref<5000x16xf32, #tpu.memory_space<vmem>>, vector<5000x16xf32>
    %add3A = arith.addf %get3A_1, %get3A_4 : vector<5000x16xf32>
    %add3A_5 = arith.constant 1.000000e+00 : f32
    %add3A_6 = vector.broadcast %add3A_5 : f32 to vector<5000x16xf32>
    %add3A_7 = arith.addf %add3A, %add3A_6 : vector<5000x16xf32>
    %reduce_max3A = arith.constant dense<0xFF800000> : vector<5000xf32>
    %reduce_max3A_8 = vector.multi_reduction <maximumf>, %add3A_7, %reduce_max3A [1] : vector<5000x16xf32> to vector<5000xf32>
    %broadcast_in_dim3A = vector.shape_cast %reduce_max3A_8 : vector<5000xf32> to vector<5000x1xf32>
    %rsqrt3A = math.rsqrt %broadcast_in_dim3A : vector<5000x1xf32>
    %swap3A = arith.constant 0 : index
    %swap3A_9 = arith.constant 0 : index
    %swap3A_10 = vector.load %arg6[%swap3A, %swap3A_9] : memref<5000x1xf32, #tpu.memory_space<vmem>>, vector<5000x1xf32>
    tpu.vector_store %arg6[%swap3A, %swap3A_9], %rsqrt3A {strides = array<i32>} : memref<5000x1xf32, #tpu.memory_space<vmem>>, vector<5000x1xf32>,
    %get3A_11 = arith.constant 0 : index
    %get3A_12 = arith.constant 0 : index
    %get3A_13 = vector.load %arg3[%get3A_11, %get3A_12] : memref<5000x128xf32, #tpu.memory_space<vmem>>, vector<5000x128xf32>
    %get3A_14 = arith.constant 0 : index
    %get3A_15 = arith.constant 0 : index
    %get3A_16 = vector.load %arg4[%get3A_14, %get3A_15] : memref<128x128xf32, #tpu.memory_space<vmem>>, vector<128x128xf32>
    %dot_general3A = arith.constant dense<0.000000e+00> : vector<5000x128xf32>
    %dot_general3A_17 = tpu.matmul %get3A_13, %get3A_16, %dot_general3A {dimension_numbers = #tpu.dot_dimension_numbers<[1], [0], [0], [1], [0, 0, 1, 1], [], []>, transpose_lhs_hint = false} : vector<5000x128xf32>, vector<128x128xf32>, vector<5000x128xf32> -> vector<5000x128xf32>
    %mul3A = vector.broadcast %rsqrt3A : vector<5000x1xf32> to vector<5000x128xf32>
    %mul3A_18 = arith.mulf %mul3A, %dot_general3A_17 : vector<5000x128xf32>
    %swap3A_19 = arith.constant 0 : index
    %swap3A_20 = arith.constant 0 : index
    %swap3A_21 = vector.load %arg5[%swap3A_19, %swap3A_20] : memref<5000x128xf32, #tpu.memory_space<vmem>>, vector<5000x128xf32>
    tpu.vector_store %arg5[%swap3A_19, %swap3A_20], %mul3A_18 {strides = array<i32>} : memref<5000x128xf32, #tpu.memory_space<vmem>>, vector<5000x128xf32>,
    return
  }
  func.func @transform_0(%arg0: i32) -> (i32, i32) {
    %c0_i32 = arith.constant 0 : i32
    %c0_i32_0 = arith.constant 0 : i32
    return %arg0, %c0_i32 : i32, i32
  }
  func.func @transform_1(%arg0: i32) -> (i32, i32) {
    %c0_i32 = arith.constant 0 : i32
    %c0_i32_0 = arith.constant 0 : i32
    return %arg0, %c0_i32 : i32, i32
  }
  func.func @transform_2(%arg0: i32) -> (i32, i32) {
    %c0_i32 = arith.constant 0 : i32
    %c0_i32_0 = arith.constant 0 : i32
    return %arg0, %c0_i32 : i32, i32
  }
  func.func @transform_3(%arg0: i32) -> (i32, i32) {
    %c0_i32 = arith.constant 0 : i32
    %c0_i32_0 = arith.constant 0 : i32
    %c0_i32_1 = arith.constant 0 : i32
    return %c0_i32, %c0_i32_0 : i32, i32
  }
  func.func @transform_4(%arg0: i32) -> (i32, i32) {
    %c0_i32 = arith.constant 0 : i32
    %c0_i32_0 = arith.constant 0 : i32
    return %arg0, %c0_i32 : i32, i32
  }
  func.func @transform_5(%arg0: i32) -> (i32, i32) {
    %c0_i32 = arith.constant 0 : i32
    %c0_i32_0 = arith.constant 0 : i32
    return %arg0, %c0_i32 : i32, i32
  }
}

module attributes {stable_mosaic.version = 14 : i64} {
  func.func @_l2_body(%arg0: i32, %arg1: memref<5000x128xf32, #tpu.memory_space<vmem>>, %arg2: memref<5000x128xf32, #tpu.memory_space<vmem>>, %arg3: memref<5000x128xf32, #tpu.memory_space<vmem>>, %arg4: memref<5000x1xf32, #tpu.memory_space<vmem>>, %arg5: memref<1x128xf32, #tpu.memory_space<vmem>>, %arg6: memref<128x64xf32, #tpu.memory_space<vmem>>, %arg7: memref<5000x64xf32, #tpu.memory_space<vmem>>) attributes {dimension_semantics = [#tpu.dimension_semantics<arbitrary>], iteration_bounds = array<i64: 2>, scalar_prefetch = 0 : i64, scratch_operands = 0 : i64, tpu.core_type = #tpu.core_type<tc>, window_params = [{transform_indices = @transform_0, window_bounds = array<i64: 5000, 128>}, {transform_indices = @transform_1, window_bounds = array<i64: 5000, 128>}, {transform_indices = @transform_2, window_bounds = array<i64: 5000, 128>}, {transform_indices = @transform_3, window_bounds = array<i64: 5000, 1>}, {pipeline_mode = #tpu.pipeline_mode<synchronous>, transform_indices = @transform_4, window_bounds = array<i64: 1, 128>}, {pipeline_mode = #tpu.pipeline_mode<synchronous>, transform_indices = @transform_5, window_bounds = array<i64: 128, 64>}, {transform_indices = @transform_6, window_bounds = array<i64: 5000, 64>}]} {
    %get3A = arith.constant 0 : index
    %get3A_0 = arith.constant 0 : index
    %get3A_1 = vector.load %arg4[%get3A, %get3A_0] : memref<5000x1xf32, #tpu.memory_space<vmem>>, vector<5000x1xf32>
    %get3A_2 = arith.constant 0 : index
    %get3A_3 = arith.constant 0 : index
    %get3A_4 = vector.load %arg1[%get3A_2, %get3A_3] : memref<5000x128xf32, #tpu.memory_space<vmem>>, vector<5000x128xf32>
    %get3A_5 = arith.constant 0 : index
    %get3A_6 = arith.constant 0 : index
    %get3A_7 = vector.load %arg2[%get3A_5, %get3A_6] : memref<5000x128xf32, #tpu.memory_space<vmem>>, vector<5000x128xf32>
    %add3A = arith.addf %get3A_4, %get3A_7 : vector<5000x128xf32>
    %get3A_8 = arith.constant 0 : index
    %get3A_9 = arith.constant 0 : index
    %get3A_10 = vector.load %arg3[%get3A_8, %get3A_9] : memref<5000x128xf32, #tpu.memory_space<vmem>>, vector<5000x128xf32>
    %add3A_11 = arith.addf %add3A, %get3A_10 : vector<5000x128xf32>
    %mul3A = vector.broadcast %get3A_1 : vector<5000x1xf32> to vector<5000x128xf32>
    %mul3A_12 = arith.mulf %mul3A, %add3A_11 : vector<5000x128xf32>
    %get3A_13 = arith.constant 0 : index
    %get3A_14 = arith.constant 0 : index
    %get3A_15 = vector.load %arg5[%get3A_13, %get3A_14] : memref<1x128xf32, #tpu.memory_space<vmem>>, vector<1x128xf32>
    %add3A_16 = vector.broadcast %get3A_15 : vector<1x128xf32> to vector<5000x128xf32>
    %add3A_17 = arith.addf %mul3A_12, %add3A_16 : vector<5000x128xf32>
    %max3A = arith.constant 0.000000e+00 : f32
    %max3A_18 = vector.broadcast %max3A : f32 to vector<5000x128xf32>
    %max3A_19 = arith.maximumf %add3A_17, %max3A_18 : vector<5000x128xf32>
    %get3A_20 = arith.constant 0 : index
    %get3A_21 = arith.constant 0 : index
    %get3A_22 = vector.load %arg6[%get3A_20, %get3A_21] : memref<128x64xf32, #tpu.memory_space<vmem>>, vector<128x64xf32>
    %dot_general3A = arith.constant dense<0.000000e+00> : vector<5000x64xf32>
    %dot_general3A_23 = tpu.matmul %max3A_19, %get3A_22, %dot_general3A {dimension_numbers = #tpu.dot_dimension_numbers<[1], [0], [0], [1], [0, 0, 1, 1], [], []>, transpose_lhs_hint = false} : vector<5000x128xf32>, vector<128x64xf32>, vector<5000x64xf32> -> vector<5000x64xf32>
    %mul3A_24 = vector.broadcast %get3A_1 : vector<5000x1xf32> to vector<5000x64xf32>
    %mul3A_25 = arith.mulf %mul3A_24, %dot_general3A_23 : vector<5000x64xf32>
    %swap3A = arith.constant 0 : index
    %swap3A_26 = arith.constant 0 : index
    %swap3A_27 = vector.load %arg7[%swap3A, %swap3A_26] : memref<5000x64xf32, #tpu.memory_space<vmem>>, vector<5000x64xf32>
    tpu.vector_store %arg7[%swap3A, %swap3A_26], %mul3A_25 {strides = array<i32>} : memref<5000x64xf32, #tpu.memory_space<vmem>>, vector<5000x64xf32>,
    return
  }
  func.func @transform_0(%arg0: i32) -> (i32, i32) {
    %c0_i32 = arith.constant 0 : i32
    %c0_i32_0 = arith.constant 0 : i32
    return %arg0, %c0_i32 : i32, i32
  }
  func.func @transform_1(%arg0: i32) -> (i32, i32) {
    %c0_i32 = arith.constant 0 : i32
    %c0_i32_0 = arith.constant 0 : i32
    return %arg0, %c0_i32 : i32, i32
  }
  func.func @transform_2(%arg0: i32) -> (i32, i32) {
    %c0_i32 = arith.constant 0 : i32
    %c0_i32_0 = arith.constant 0 : i32
    return %arg0, %c0_i32 : i32, i32
  }
  func.func @transform_3(%arg0: i32) -> (i32, i32) {
    %c0_i32 = arith.constant 0 : i32
    %c0_i32_0 = arith.constant 0 : i32
    return %arg0, %c0_i32 : i32, i32
  }
  func.func @transform_4(%arg0: i32) -> (i32, i32) {
    %c0_i32 = arith.constant 0 : i32
    %c0_i32_0 = arith.constant 0 : i32
    %c0_i32_1 = arith.constant 0 : i32
    return %c0_i32, %c0_i32_0 : i32, i32
  }
  func.func @transform_5(%arg0: i32) -> (i32, i32) {
    %c0_i32 = arith.constant 0 : i32
    %c0_i32_0 = arith.constant 0 : i32
    %c0_i32_1 = arith.constant 0 : i32
    return %c0_i32, %c0_i32_0 : i32, i32
  }
  func.func @transform_6(%arg0: i32) -> (i32, i32) {
    %c0_i32 = arith.constant 0 : i32
    %c0_i32_0 = arith.constant 0 : i32
    return %arg0, %c0_i32 : i32, i32
  }
}

module attributes {stable_mosaic.version = 14 : i64} {
  func.func @_fin_body(%arg0: i32, %arg1: memref<5000x64xf32, #tpu.memory_space<vmem>>, %arg2: memref<5000x64xf32, #tpu.memory_space<vmem>>, %arg3: memref<5000x64xf32, #tpu.memory_space<vmem>>, %arg4: memref<5000x1xf32, #tpu.memory_space<vmem>>, %arg5: memref<1x64xf32, #tpu.memory_space<vmem>>, %arg6: memref<5000x64xf32, #tpu.memory_space<vmem>>) attributes {dimension_semantics = [#tpu.dimension_semantics<arbitrary>], iteration_bounds = array<i64: 2>, scalar_prefetch = 0 : i64, scratch_operands = 0 : i64, tpu.core_type = #tpu.core_type<tc>, window_params = [{transform_indices = @transform_0, window_bounds = array<i64: 5000, 64>}, {transform_indices = @transform_1, window_bounds = array<i64: 5000, 64>}, {transform_indices = @transform_2, window_bounds = array<i64: 5000, 64>}, {transform_indices = @transform_3, window_bounds = array<i64: 5000, 1>}, {pipeline_mode = #tpu.pipeline_mode<synchronous>, transform_indices = @transform_4, window_bounds = array<i64: 1, 64>}, {transform_indices = @transform_5, window_bounds = array<i64: 5000, 64>}]} {
    %get3A = arith.constant 0 : index
    %get3A_0 = arith.constant 0 : index
    %get3A_1 = vector.load %arg4[%get3A, %get3A_0] : memref<5000x1xf32, #tpu.memory_space<vmem>>, vector<5000x1xf32>
    %get3A_2 = arith.constant 0 : index
    %get3A_3 = arith.constant 0 : index
    %get3A_4 = vector.load %arg1[%get3A_2, %get3A_3] : memref<5000x64xf32, #tpu.memory_space<vmem>>, vector<5000x64xf32>
    %get3A_5 = arith.constant 0 : index
    %get3A_6 = arith.constant 0 : index
    %get3A_7 = vector.load %arg2[%get3A_5, %get3A_6] : memref<5000x64xf32, #tpu.memory_space<vmem>>, vector<5000x64xf32>
    %add3A = arith.addf %get3A_4, %get3A_7 : vector<5000x64xf32>
    %get3A_8 = arith.constant 0 : index
    %get3A_9 = arith.constant 0 : index
    %get3A_10 = vector.load %arg3[%get3A_8, %get3A_9] : memref<5000x64xf32, #tpu.memory_space<vmem>>, vector<5000x64xf32>
    %add3A_11 = arith.addf %add3A, %get3A_10 : vector<5000x64xf32>
    %mul3A = vector.broadcast %get3A_1 : vector<5000x1xf32> to vector<5000x64xf32>
    %mul3A_12 = arith.mulf %mul3A, %add3A_11 : vector<5000x64xf32>
    %get3A_13 = arith.constant 0 : index
    %get3A_14 = arith.constant 0 : index
    %get3A_15 = vector.load %arg5[%get3A_13, %get3A_14] : memref<1x64xf32, #tpu.memory_space<vmem>>, vector<1x64xf32>
    %add3A_16 = vector.broadcast %get3A_15 : vector<1x64xf32> to vector<5000x64xf32>
    %add3A_17 = arith.addf %mul3A_12, %add3A_16 : vector<5000x64xf32>
    %swap3A = arith.constant 0 : index
    %swap3A_18 = arith.constant 0 : index
    %swap3A_19 = vector.load %arg6[%swap3A, %swap3A_18] : memref<5000x64xf32, #tpu.memory_space<vmem>>, vector<5000x64xf32>
    tpu.vector_store %arg6[%swap3A, %swap3A_18], %add3A_17 {strides = array<i32>} : memref<5000x64xf32, #tpu.memory_space<vmem>>, vector<5000x64xf32>,
    return
  }
  func.func @transform_0(%arg0: i32) -> (i32, i32) {
    %c0_i32 = arith.constant 0 : i32
    %c0_i32_0 = arith.constant 0 : i32
    return %arg0, %c0_i32 : i32, i32
  }
  func.func @transform_1(%arg0: i32) -> (i32, i32) {
    %c0_i32 = arith.constant 0 : i32
    %c0_i32_0 = arith.constant 0 : i32
    return %arg0, %c0_i32 : i32, i32
  }
  func.func @transform_2(%arg0: i32) -> (i32, i32) {
    %c0_i32 = arith.constant 0 : i32
    %c0_i32_0 = arith.constant 0 : i32
    return %arg0, %c0_i32 : i32, i32
  }
  func.func @transform_3(%arg0: i32) -> (i32, i32) {
    %c0_i32 = arith.constant 0 : i32
    %c0_i32_0 = arith.constant 0 : i32
    return %arg0, %c0_i32 : i32, i32
  }
  func.func @transform_4(%arg0: i32) -> (i32, i32) {
    %c0_i32 = arith.constant 0 : i32
    %c0_i32_0 = arith.constant 0 : i32
    %c0_i32_1 = arith.constant 0 : i32
    return %c0_i32, %c0_i32_0 : i32, i32
  }
  func.func @transform_5(%arg0: i32) -> (i32, i32) {
    %c0_i32 = arith.constant 0 : i32
    %c0_i32_0 = arith.constant 0 : i32
    return %arg0, %c0_i32 : i32, i32
  }
}

</mosaic_0001>

<sc_bundles>
// kernel: kernel.11.cloned.1.call-start
scs
__scs_entry_jumppad:
0x0: {  	(pc) =	sbr.rel $0x88, $3  }
0x1: {  	(tag) =	ssettag $0x0;
	lr =	simm.s32 $0x1  }
0x2: {  	[smem:$0x3F9B] =	sst lr;
	_ =	strace $0xD0000000  }
0x3: {  	_ = 	snop  }
0x4: {  	_ = 	snop  }
0x5: {  	_ = 	snop  }
0x6: {  	_ = 	snop  }
0x7: {  	_ = 	snop  }
__scs_overlays_trampoline_lowered:
0x8: {  	[smem:$0x3FAA] =	sst s0  }
0x9: {  	[smem:$0x3FAB] =	sst s1  }
0xa: {  	[smem:$0x3FAC] =	sst s2  }
0xb: {  	[smem:$0x3FAD] =	sst s3  }
0xc: {  	[smem:$0x3FAE] =	sst s4  }
0xd: {  	[smem:$0x3FAF] =	sst s5  }
0xe: {  	[smem:$0x3FB0] =	sst s6  }
0xf: {  	[smem:$0x3FB1] =	sst s7  }
0x10: {  	[smem:$0x3FB2] =	sst s8  }
0x11: {  	[smem:$0x3FB3] =	sst s9;
	s0 =	simm.s32 @!p0 $0x0  }
0x12: {  	s1 =	sld [smem:$0x3F99];
	s0 =	simm.s32 @p0 $0x1  }
0x13: {  	[smem:$0x3FB4] =	sst s0;
	s0 =	simm.s32 @!p1 $0x0  }
0x14: {  	s2 =	sld [smem:$0x3F98];
	s0 =	simm.s32 @p1 $0x1  }
0x15: {  	[smem:$0x3FB5] =	sst s0;
	s0 =	simm.s32 @!p2 $0x0  }
0x16: {  	s3 =	sld [smem:$0x3FDB];
	s0 =	simm.s32 @p2 $0x1  }
0x17: {  	s4 =	simm.s32 $0x1BF5;
	[smem:$0x3FB7] =	sst s0  }
0x18: {  	s0 =	sld [smem:$0x3F9A];
	_ =	swait.ge [sflag:s4], $0x0  }
0x19: {  	s7 =	sld [smem:$0x3F9B]  }
0x1a: {  	s8 =	sadd.s32 $0xFFFFE003, lr  }
0x1b: {  	s9 =	sadd.s32 $0xFFFFFEF7, lr;
	s5 =	simm.s32 $0xFFFFFFFF;
	p2 =	slt.u32 s8, $0xFFFFF086  }
0x1c: {  	p1 =	slt.u32 s9, $0xF7A;
	s5 =	simm.s32 @!p2 $0x0  }
0x1d: {  	s5 =	simm.s32 @p1 $0x1;
	p0 =	seq.s32 s7, s2  }
0x1e: {  	s7 =	smul.u32 @!p0 $0xF7A, s2;
	p2 =	seq.s32 @!p0 s5, $0x0  }
0x1f: {  	s9 =	smul.u32 $0xF7A, s1;
	s8 =	simm.s32 @!p0 $0x1BF5;
	p2 =	por !p2, p0  }
0x20: {  	[sflag:s8] =	ssyncset.s32 @!p0 $0xFFFFF086;
	s6 =	sadd.s32 @!p0 s3, s7;
	s7 =	simm.s32 @!p0 $0x108  }
0x21: {  	s3 =	sadd.s32 s3, s9;
	s6 =	sadd.s32 @!p0 $0x88, s6;
	s7 =	simm.s32 @p2 $0x1082  }
0x22: {  	[simem:s7], [sflag:s8] =	dma.local @!p0 [hbm:s6], $0xF7A  }
0x23: {  	s9 =	sor.u32 $0xD0000000, s2;
	s6 =	simm.s32 $0x108;
	_ =	swait.ge @!p0 [sflag:s8], $0x0  }
0x24: {  	s3 =	sadd.s32 $0x88, s3;
	s6 =	simm.s32 @!p1 $0x1082;
	[sflag:s4] =	ssyncset.s32 $0xFFFFF086  }
0x25: {  	[simem:s6], [sflag:s4] =	dma.local [hbm:s3], $0xF7A  }
0x26: {  	[smem:$0x3F9B] =	sst s1;
	(tag) =	ssettag s2;
	_ =	strace s9  }
0x27: {  	s1 =	sld [smem:$0x3FAB]  }
0x28: {  	s2 =	sld [smem:$0x3FAC]  }
0x29: {  	s4 =	sld [smem:$0x3FAE]  }
0x2a: {  	p0 =	seq.s32 s5, $0x0;
	s5 =	sld [smem:$0x3FAF]  }
0x2b: {  	s6 =	sld [smem:$0x3FB0]  }
0x2c: {  	s7 =	sld [smem:$0x3FB1]  }
0x2d: {  	s3 =	simm.s32 $0x108;
	s8 =	sld [smem:$0x3FB2]  }
0x2e: {  	s3 =	simm.s32 @!p0 $0x1082;
	s9 =	sld [smem:$0x3FB3]  }
0x2f: {  	lr =	sadd.s32 s0, s3;
	s0 =	sld [smem:$0x3FAA]  }
0x30: {  	s3 =	sld [smem:$0x3FAD]  }
0x31: {  	[smem:$0x3FB6] =	sst s10  }
0x32: {  	s10 =	sld [smem:$0x3FB4];
	_ =	sdelay $0x3  }
0x33: {  	p0 =	seq.s32 s10, $0x1;
	s10 =	sld [smem:$0x3FB6];
	_ =	sdelay $0x3  }
0x34: {  	[smem:$0x3FB6] =	sst s10  }
0x35: {  	s10 =	sld [smem:$0x3FB5];
	_ =	sdelay $0x3  }
0x36: {  	p1 =	seq.s32 s10, $0x1;
	s10 =	sld [smem:$0x3FB6];
	_ =	sdelay $0x3  }
0x37: {  	[smem:$0x3FB6] =	sst s10  }
0x38: {  	s10 =	sld [smem:$0x3FB7]  }
0x39: {  	_ = 	snop;
	(pc) =	sbr.ind lr, $3  }
0x3a: {  	_ = 	snop  }
0x3b: {  	_ = 	snop  }
0x3c: {  	p2 =	seq.s32 s10, $0x1;
	s10 =	sld [smem:$0x3FB6]  }
0x3d: {  	_ =	shalt  }
0x3e: {  	_ =	shalt  }
0x3f: {  	_ =	shalt  }
0x40: {  	_ =	shalt  }
0x41: {  	_ =	shalt  }
0x42: {  	_ =	shalt  }
0x43: {  	_ =	shalt  }
0x44: {  	_ =	shalt  }
0x45: {  	_ =	shalt  }
0x46: {  	_ =	shalt  }
0x47: {  	_ =	shalt  }
0x48: {  	_ =	shalt  }
0x49: {  	_ =	shalt  }
0x4a: {  	_ =	shalt  }
0x4b: {  	_ =	shalt  }
0x4c: {  	_ =	shalt  }
0x4d: {  	_ =	shalt  }
0x4e: {  	_ =	shalt  }
0x4f: {  	_ =	shalt  }
0x50: {  	_ =	shalt  }
0x51: {  	_ =	shalt  }
0x52: {  	_ =	shalt  }
0x53: {  	_ =	shalt  }
0x54: {  	_ =	shalt  }
0x55: {  	_ =	shalt  }
0x56: {  	_ =	shalt  }
0x57: {  	_ =	shalt  }
0x58: {  	_ =	shalt  }
0x59: {  	_ =	shalt  }
0x5a: {  	_ =	shalt  }
0x5b: {  	_ =	shalt  }
0x5c: {  	_ =	shalt  }
0x5d: {  	_ =	shalt  }
0x5e: {  	_ =	shalt  }
0x5f: {  	_ =	shalt  }
0x60: {  	_ =	shalt  }
0x61: {  	_ =	shalt  }
0x62: {  	_ =	shalt  }
0x63: {  	_ =	shalt  }
0x64: {  	_ =	shalt  }
0x65: {  	_ =	shalt  }
0x66: {  	_ =	shalt  }
0x67: {  	_ =	shalt  }
0x68: {  	_ =	shalt  }
0x69: {  	_ =	shalt  }
0x6a: {  	_ =	shalt  }
0x6b: {  	_ =	shalt  }
0x6c: {  	_ =	shalt  }
0x6d: {  	_ =	shalt  }
0x6e: {  	_ =	shalt  }
0x6f: {  	_ =	shalt  }
0x70: {  	_ =	shalt  }
0x71: {  	_ =	shalt  }
0x72: {  	_ =	shalt  }
0x73: {  	_ =	shalt  }
0x74: {  	_ =	shalt  }
0x75: {  	_ =	shalt  }
0x76: {  	_ =	shalt  }
0x77: {  	_ =	shalt  }
0x78: {  	_ =	shalt  }
0x79: {  	_ =	shalt  }
0x7a: {  	_ =	shalt  }
0x7b: {  	_ =	shalt  }
0x7c: {  	_ =	shalt  }
0x7d: {  	_ =	shalt  }
0x7e: {  	_ =	shalt  }
0x7f: {  	_ =	shalt  }
0x80: {  	_ =	shalt  }
0x81: {  	_ =	shalt  }
0x82: {  	_ =	shalt  }
0x83: {  	_ =	shalt  }
0x84: {  	_ =	shalt  }
0x85: {  	_ =	shalt  }
0x86: {  	_ =	shalt  }
0x87: {  	_ =	shalt  }
.Lfunc_end0:
.L_simem_size_0:
called_computation.1_lowered:
.L_overlay_start_0:
0x88: {  	s2 =	sld [smem:$0x3FD9]  }
0x89: {  	s3 =	sld [smem:$0x3FFE];
	_ =	sdelay $0x1  }
0x8a: {  	s1 =	srdreg.scid  }
0x8b: {  	s0 =	sand.u32 $0x1, s1  }
0x8c: {  	s17 =	sshll.u32 s0, $0xA;
	s2 =	sadd.s32 s3, s2  }
0x8d: {  	s2 =	sadd.s32 s2, s17  }
0x8e: {  	[smem:$0x3FC2] =	sst s2  }
0x8f: {  	_ = 	snop  }
0x90: {  	s2 =	sld [smem:$0x3FD0];
	(tm) =	ssettm $0x1  }
0x91: {  	s18 =	sld [smem:$0x3FFB];
	_ =	sdelay $0x3  }
0x92: {  	_ =	strace s18  }
0x93: {  	s3 =	sld [smem:$0x3FFC];
	_ =	sdelay $0x3  }
0x94: {  	_ =	strace s3  }
0x95: {  	s3 =	sld [smem:$0x3FFD];
	_ =	sdelay $0x3  }
0x96: {  	_ =	strace s3  }
0x97: {  	_ =	strace $0x8FFFFFFF  }
0x98: {  	s19 =	sld [smem:$0x3FDB];
	_ =	sdelay $0x1  }
0x99: {  	s4 =	simm.s32 $_scs_section_size  }
0x9a: {  	s5 =	simm.s32 $_size__tile_overlayer_lowered;
	s6 =	simm.s32 $_tile_overlayer_lowered  }
0x9b: {  	s22 =	simm.s32 $0x1BFF;
	s21 =	sshll.u32 s6, $0x1;
	s3 =	sadd.s32 s4, s19  }
0x9c: {  	s7 =	simm.s32 $0x0;
	s20 =	sshll.u32 s5, $0x1;
	s5 =	sadd.s32 s21, s3  }
0x9d: {  	[timem:s7], [sflag:s22] =	dma.local [hbm:s5], s20  }
0x9e: {  	_ =	swait.ge [sflag:s22], s20  }
0x9f: {  	s4 =	ssub.s32 $0x0, s20;
	[sflag:s22] =	ssyncset.done $0x0  }
0xa0: {  	[sflag:s22] =	ssyncadd.s32 s4;
	_ =	sdelay $0x1  }
0xa1: {  	s23 =	simm.s32 $0x1B8B  }
0xa2: {  	_ =	swait.ge [sflag:s23], $0x1  }
0xa3: {  	[sflag:s23] =	ssyncset.done $0x0  }
0xa4: {  	s25 =	simm.s32 $0x1B8E;
	s24 =	sld [smem:$0x3FFE];
	[sflag:s23] =	ssyncadd.s32 $0xFFFFFFFF  }
0xa5: {  	s26 =	simm.s32 $execute0_lowered;
	[smem:$0x3FD2] =	sst s25  }
0xa6: {  	s5 =	sshll.u32 s26, $0x1;
	_ =	strace $0x80000049;
	[dreg:$0x1] =	wrdreg $0xFFFFFFFF  }
0xa7: {  	s28 =	simm.s32 $_size_execute0_lowered;
	s3 =	sadd.s32 s3, s5;
	[dreg:$0x0] =	wrdreg $0x0  }
0xa8: {  	s5 =	sshll.u32 s28, $0x1;
	[dreg:$0x2] =	wrdreg s3  }
0xa9: {  	[dreg:$0x3] =	wrdreg s5  }
0xaa: {  	[dreg:$0x4] =	wrdreg $0xC0  }
0xab: {  	_ =	task [dreg:s7], $0x5FFFF  }
0xac: {  	[dreg:$0x1] =	wrdreg $0xFFFFFFFF  }
0xad: {  	[dreg:$0x0] =	wrdreg $0x60  }
0xae: {  	[dreg:$0x2] =	wrdreg s24  }
0xaf: {  	[dreg:$0x3] =	wrdreg s2  }
0xb0: {  	[dreg:$0x4] =	wrdreg $0x7F000  }
0xb1: {  	[dreg:$0x5] =	wrdreg $0x9  }
0xb2: {  	_ =	task.clear_ibuf [dreg:s7], $0x6FFFF;
	_ =	strace $0x90000049  }
0xb3: {  	s29 =	simm.s32 $0x9;
	_ =	strace $0x8000004B  }
0xb4: {  	_ =	swait.ge [sflag:s29], $0x1  }
0xb5: {  	[sflag:s29] =	ssyncadd.s32 $0xFFFFFFFF  }
0xb6: {  	_ =	strace $0x9000004B  }
0xb7: {  	_ =	sfence  }
0xb8: {  	s30 =	sld [smem:$0x0];
	_ =	sdelay $0x2  }
0xb9: {  	s31 =	sshll.u32 s1, $0xD;
	s1 =	sshrl.u32 s1, $0x2  }
0xba: {  	s3 =	sand.u32 $0x4000, s31;
	s1 =	sadd.s32 s1, s30  }
0xbb: {  	s0 =	sor.u32 s3, s0;
	s1 =	sshll.u32 s1, $0x11  }
0xbc: {  	s0 =	sor.u32 s1, s0  }
0xbd: {  	s0 =	sadd.s32 $0x8F2B, s0  }
0xbe: {  	[sflag:s0] =	ssyncadd.remote.s32 $0x1  }
0xbf: {  	_ =	sfence.sel $0xFFFF  }
0xc0: {  	[dreg:$0x0] =	wrdreg $0xFFFFFFFF;
	(pc) =	sbr.abs _section_cstart, $3  }
0xc1: {  	[dreg:$0x1] =	wrdreg $0xFFFFFFFF  }
0xc2: {  	_ =	task.clear_ibuf [dreg:s7], $0x2FFFF;
	_ =	strace $0x9FFFFFFF  }
0xc3: {  	(tm) =	ssettm $0x7FFFFFFF  }
tec
execute0_lowered:
.L_overlay_start_1:
0x0: {  	(tag) =	ssettag $0x1  }
0x1: {  	s0 =	rddreg [dreg:$0x0]  }
0x2: {  	s3 =	rddreg [dreg:$0x2];
	s4 =	simm.s32 $0x0;
	s1 =	srdreg.scid  }
0x3: {  	s12 =	stileid.u32;
	s28 =	simm.s32 $0x180;
	s29 =	simm.s32 $0x4  }
0x4: {  	s30 =	simm.s32 $0x4080;
	s31 =	simm.s32 $0x1;
	[smem:$0x7FF] =	sst s4  }
0x5: {  	s1 =	sand.u32 $0x1, s1;
	s2 =	smul.u32 $0x13C00, s12;
	s5 =	sadd.s32 $0x16200, s0  }
0x6: {  	s8 =	sadd.s32 $0xC200, s0;
	s7 =	sshll.u32 s12, $0x1;
	s22 =	smul.u32 $0x5000, s12  }
0x7: {  	s11 =	sadd.s32 $0x1A00, s0;
	s16 =	sshll.u32 s12, $0x6;
	s6 =	smul.u32 $0x13C000, s1  }
0x8: {  	s9 =	ssub.s32 $0x2, s1;
	s7 =	sor.u32 s1, s7;
	s1 =	smul.u32 $0x2800, s1  }
0x9: {  	_ =	strace $0x8000004A;
	s10 =	sshrl.u32 s9, $0x1;
	s7 =	smul.u32 $0x2800, s7  }
0xa: {  	s6 =	sadd.s32 s2, s6;
	s15 =	ssub.s32 s9, s10;
	s2 =	sadd.s32 s2, s3  }
0xb: {  	s1 =	sadd.s32 s1, s22;
	s22 =	simm.s32 $0x7;
	s6 =	sshrl.u32 s6, $0x3  }
0xc: {  	[dreg:$0x4] =	wrdreg s2;
	s17 =	sshrl.u32 s7, $0x3;
	s7 =	sor.u32 $0x1C07, s16  }
0xd: {  	s13 =	smax.u32 s15, $0x1;
	s25 =	sor.u32 $0x100, s1;
	s1 =	sor.u32 $0x180, s1  }
0xe: {  	s0 =	sadd.s32 s6, s0;
	s18 =	sadd.s32 s8, s17;
	s19 =	sor.u32 $0x10, s17  }
0xf: {  	s21 =	sadd.s32 s11, s17;
	s23 =	sadd.s32 $0x4F0, s17;
	s24 =	sadd.s32 $0x4E0, s17  }
0x10: {  	s26 =	sshrl.u32 s25, $0x3;
	s1 =	sshrl.u32 s1, $0x3;
	s25 =	simm.s32 $0x80  }
0x11: {  	s6 =	simm.s32 $0x6;
	[dreg:$0x5] =	wrdreg s18;
	s20 =	sadd.s32 s8, s19  }
0x12: {  	[dreg:$0x7] =	wrdreg s21;
	s2 =	sadd.s32 s11, s19;
	s0 =	sadd.s32 $0x64600, s0  }
0x13: {  	s14 =	sadd.s32 s8, s23;
	s15 =	sadd.s32 s11, s23;
	s16 =	sadd.s32 s8, s24  }
0x14: {  	s17 =	sadd.s32 s11, s24;
	s18 =	sadd.s32 s26, s11;
	s19 =	sadd.s32 s26, s8  }
0x15: {  	s21 =	sadd.s32 s1, s8;
	s23 =	simm.s32 $0x7D;
	[dreg:$0x6] =	wrdreg s20  }
0x16: {  	s24 =	simm.s32 $0x200;
	s26 =	simm.s32 $0x100;
	[dreg:$0x8] =	wrdreg s2  }
0x17: {  	s8 =	simm.s32 $0x0;
	[dreg:$0x9] =	wrdreg s0;
	s20 =	sadd.s32 s1, s11  }
0x18: {  	s0 =	simm.s32 $0x5;
	s2 =	simm.s32 $0x3;
	s1 =	simm.s32 $0x2  }
.LBB2_1:
0x19: {  	s9 =	rddreg [dreg:$0x4]  }
0x1a: {  	s10 =	rddreg [dreg:$0x1];
	s9 =	sshrl.u32 s9, $0x3  }
0x1b: {  	[spmem:s9], [sflag:s7] =	dma.local [hbm:s10], $0x2780  }
0x1c: {  	_ =	swait.ge [sflag:s22], $0x2780  }
0x1d: {  	[sflag:s22] =	ssyncset.done $0x0  }
0x1e: {  	[sflag:s22] =	ssyncadd.s32 $0xFFFFD880  }
0x1f: {  	[bflag:$0x0] =	sbarrier.arrive $0xFFFF  }
0x20: {  	s12 =	rddreg [dreg:$0x5]  }
0x21: {  	[tilespmem:s4], [sflag:$0x7] =	stream.linear.gather [hbm4b:s12+s4], $0x80, $0x38;
	[tilespmem:$0x1BB00] =	vst v63  }
0x22: {  	_ =	swait.ge [sflag:s22], $0x80  }
0x23: {  	[sflag:s22] =	ssyncset.done $0x0  }
0x24: {  	[sflag:s22] =	ssyncadd.s32 $0xFFFFFF80  }
0x25: {  	[tilespmem:s24], [sflag:$0x1] =	stream.indirect.gather [hbm4b:s5+s23], $0x80, s4, s23, $0xb8;
	[tilespmem:$0x1BB00] =	vst v63  }
0x26: {  	s11 =	rddreg [dreg:$0x6]  }
0x27: {  	[tilespmem:s25], [sflag:$0x4] =	stream.linear.gather [hbm4b:s11+s4], $0x80, $0x38;
	[tilespmem:$0x1BB00] =	vst v63  }
0x28: {  	s12 =	rddreg [dreg:$0x7]  }
0x29: {  	[tilespmem:s26], [sflag:$0x5] =	stream.linear.gather [hbm4b:s12+s4], $0x80, $0x38;
	[tilespmem:$0x1BB00] =	vst v63  }
0x2a: {  	s11 =	rddreg [dreg:$0x8]  }
0x2b: {  	[tilespmem:s28], [sflag:$0x6] =	stream.linear.gather [hbm4b:s11+s4], $0x80, $0x38;
	[tilespmem:$0x1BB00] =	vst v63  }
0x2c: {  	_ =	swait.ge [sflag:s29], $0x80  }
0x2d: {  	[sflag:s29] =	ssyncset.done $0x0  }
0x2e: {  	[sflag:s29] =	ssyncadd.s32 $0xFFFFFF80  }
0x2f: {  	[tilespmem:s30], [sflag:$0x2] =	stream.indirect.gather [hbm4b:s5+s23], $0x80, s25, s23, $0xb8;
	[tilespmem:$0x1BB00] =	vst v63  }
0x30: {  	_ =	swait.ge [sflag:s31], $0x3E80  }
0x31: {  	[sflag:s31] =	ssyncset.done $0x0  }
0x32: {  	s12 =	sadd.s32 $0x0, s19;
	[sflag:s31] =	ssyncadd.s32 $0xFFFFC180  }
0x33: {  	[tilespmem:s4], [sflag:$0x3] =	stream.linear.gather [hbm4b:s12+s4], $0x80, $0x38;
	[tilespmem:$0x1BB00] =	vst v63  }
0x34: {  	_ =	swait.ge [sflag:s0], $0x80  }
0x35: {  	[sflag:s0] =	ssyncset.done $0x0  }
0x36: {  	[sflag:s0] =	ssyncadd.s32 $0xFFFFFF80  }
0x37: {  	[spmem:s3] =	stream.indirect.scatter.add.f32 [tilespmem:s24], [sflag:$0x7], $0x80, s26, s23, $0xb8;
	[tilespmem:$0x1BB00] =	vst v63  }
0x38: {  	_ =	swait.ge [sflag:s22], $0x3E80  }
0x39: {  	[sflag:s22] =	ssyncset.done $0x0  }
0x3a: {  	s11 =	sadd.s32 $0x0, s18;
	[sflag:s22] =	ssyncadd.s32 $0xFFFFC180  }
0x3b: {  	[tilespmem:s26], [sflag:$0x5] =	stream.linear.gather [hbm4b:s11+s4], $0x80, $0x38;
	[tilespmem:$0x1BB00] =	vst v63  }
0x3c: {  	_ =	swait.ge [sflag:s2], $0x80  }
0x3d: {  	[sflag:s2] =	ssyncset.done $0x0  }
0x3e: {  	[sflag:s2] =	ssyncadd.s32 $0xFFFFFF80  }
0x3f: {  	[tilespmem:s24], [sflag:$0x1] =	stream.indirect.gather [hbm4b:s5+s23], $0x80, s4, s23, $0xb8;
	[tilespmem:$0x1BB00] =	vst v63  }
0x40: {  	_ =	swait.ge [sflag:s1], $0x3E80  }
0x41: {  	[sflag:s1] =	ssyncset.done $0x0  }
0x42: {  	s12 =	sadd.s32 $0x0, s21;
	[sflag:s1] =	ssyncadd.s32 $0xFFFFC180  }
0x43: {  	[tilespmem:s25], [sflag:$0x4] =	stream.linear.gather [hbm4b:s12+s4], $0x80, $0x38;
	[tilespmem:$0x1BB00] =	vst v63  }
0x44: {  	_ =	swait.ge [sflag:s6], $0x80  }
0x45: {  	[sflag:s6] =	ssyncset.done $0x0  }
0x46: {  	[sflag:s6] =	ssyncadd.s32 $0xFFFFFF80  }
0x47: {  	[spmem:s3] =	stream.indirect.scatter.add.f32 [tilespmem:s30], [sflag:$0x7], $0x80, s28, s23, $0xb8;
	[tilespmem:$0x1BB00] =	vst v63  }
0x48: {  	_ =	swait.ge [sflag:s22], $0x3E80  }
0x49: {  	[sflag:s22] =	ssyncset.done $0x0  }
0x4a: {  	s10 =	simm.s32 $0x20;
	s11 =	sadd.s32 $0x0, s20;
	[sflag:s22] =	ssyncadd.s32 $0xFFFFC180  }
.LBB2_2:
0x4b: {  	[tilespmem:s28], [sflag:$0x6] =	stream.linear.gather [hbm4b:s11+s4], $0x80, $0x38;
	[tilespmem:$0x1BB00] =	vst v63  }
0x4c: {  	s11 =	smov.u32 s10  }
0x4d: {  	p0 =	sne.s32 s10, $0x4A0;
	s10 =	sadd.s32 $0x20, s10;
	_ =	swait.ge [sflag:s29], $0x80  }
0x4e: {  	[sflag:s29] =	ssyncset.done $0x0  }
0x4f: {  	[sflag:s29] =	ssyncadd.s32 $0xFFFFFF80  }
0x50: {  	[tilespmem:s30], [sflag:$0x2] =	stream.indirect.gather [hbm4b:s5+s23], $0x80, s25, s23, $0xb8;
	[tilespmem:$0x1BB00] =	vst v63  }
0x51: {  	_ =	swait.ge [sflag:s31], $0x3E80  }
0x52: {  	[sflag:s31] =	ssyncset.done $0x0  }
0x53: {  	s12 =	sadd.s32 s11, s19;
	[sflag:s31] =	ssyncadd.s32 $0xFFFFC180  }
0x54: {  	[tilespmem:s4], [sflag:$0x3] =	stream.linear.gather [hbm4b:s12+s4], $0x80, $0x38;
	[tilespmem:$0x1BB00] =	vst v63  }
0x55: {  	_ =	swait.ge [sflag:s0], $0x80  }
0x56: {  	[sflag:s0] =	ssyncset.done $0x0  }
0x57: {  	[sflag:s0] =	ssyncadd.s32 $0xFFFFFF80  }
0x58: {  	[spmem:s3] =	stream.indirect.scatter.add.f32 [tilespmem:s24], [sflag:$0x7], $0x80, s26, s23, $0xb8;
	[tilespmem:$0x1BB00] =	vst v63  }
0x59: {  	_ =	swait.ge [sflag:s22], $0x3E80  }
0x5a: {  	[sflag:s22] =	ssyncset.done $0x0  }
0x5b: {  	s12 =	sadd.s32 s11, s18;
	[sflag:s22] =	ssyncadd.s32 $0xFFFFC180  }
0x5c: {  	[tilespmem:s26], [sflag:$0x5] =	stream.linear.gather [hbm4b:s12+s4], $0x80, $0x38;
	[tilespmem:$0x1BB00] =	vst v63  }
0x5d: {  	_ =	swait.ge [sflag:s2], $0x80  }
0x5e: {  	[sflag:s2] =	ssyncset.done $0x0  }
0x5f: {  	[sflag:s2] =	ssyncadd.s32 $0xFFFFFF80  }
0x60: {  	[tilespmem:s24], [sflag:$0x1] =	stream.indirect.gather [hbm4b:s5+s23], $0x80, s4, s23, $0xb8;
	[tilespmem:$0x1BB00] =	vst v63  }
0x61: {  	_ =	swait.ge [sflag:s1], $0x3E80  }
0x62: {  	[sflag:s1] =	ssyncset.done $0x0  }
0x63: {  	s12 =	sadd.s32 s11, s21;
	[sflag:s1] =	ssyncadd.s32 $0xFFFFC180  }
0x64: {  	[tilespmem:s25], [sflag:$0x4] =	stream.linear.gather [hbm4b:s12+s4], $0x80, $0x38;
	[tilespmem:$0x1BB00] =	vst v63  }
0x65: {  	_ =	swait.ge [sflag:s6], $0x80  }
0x66: {  	[sflag:s6] =	ssyncset.done $0x0  }
.Ltmp0:
0x67: {  	[sflag:s6] =	ssyncadd.s32 $0xFFFFFF80;
	(pc) =	sbr.rel @p0 .LBB2_2-.Ltmp0, $4  }
0x68: {  	[spmem:s3] =	stream.indirect.scatter.add.f32 [tilespmem:s30], [sflag:$0x7], $0x80, s28, s23, $0xb8;
	[tilespmem:$0x1BB00] =	vst v63  }
0x69: {  	_ =	swait.ge [sflag:s22], $0x3E80  }
0x6a: {  	[sflag:s22] =	ssyncset.done $0x0  }
0x6b: {  	s11 =	sadd.s32 s11, s20;
	[sflag:s22] =	ssyncadd.s32 $0xFFFFC180  }
0x6c: {  	[tilespmem:s28], [sflag:$0x6] =	stream.linear.gather [hbm4b:s11+s4], $0x80, $0x38;
	[tilespmem:$0x1BB00] =	vst v63  }
0x6d: {  	_ =	swait.ge [sflag:s29], $0x80  }
0x6e: {  	[sflag:s29] =	ssyncset.done $0x0  }
0x6f: {  	[sflag:s29] =	ssyncadd.s32 $0xFFFFFF80  }
0x70: {  	[tilespmem:s30], [sflag:$0x2] =	stream.indirect.gather [hbm4b:s5+s23], $0x80, s25, s23, $0xb8;
	[tilespmem:$0x1BB00] =	vst v63  }
0x71: {  	_ =	swait.ge [sflag:s31], $0x3E80  }
0x72: {  	[sflag:s31] =	ssyncset.done $0x0  }
0x73: {  	[sflag:s31] =	ssyncadd.s32 $0xFFFFC180  }
0x74: {  	[tilespmem:s4], [sflag:$0x3] =	stream.linear.gather [hbm4b:s16+s4], $0x80, $0x38;
	[tilespmem:$0x1BB00] =	vst v63  }
0x75: {  	_ =	swait.ge [sflag:s0], $0x80  }
0x76: {  	[sflag:s0] =	ssyncset.done $0x0  }
0x77: {  	[sflag:s0] =	ssyncadd.s32 $0xFFFFFF80  }
0x78: {  	[spmem:s3] =	stream.indirect.scatter.add.f32 [tilespmem:s24], [sflag:$0x7], $0x80, s26, s23, $0xb8;
	[tilespmem:$0x1BB00] =	vst v63  }
0x79: {  	_ =	swait.ge [sflag:s22], $0x3E80  }
0x7a: {  	[sflag:s22] =	ssyncset.done $0x0  }
0x7b: {  	[sflag:s22] =	ssyncadd.s32 $0xFFFFC180  }
0x7c: {  	[tilespmem:s26], [sflag:$0x5] =	stream.linear.gather [hbm4b:s17+s4], $0x80, $0x38;
	[tilespmem:$0x1BB00] =	vst v63  }
0x7d: {  	_ =	swait.ge [sflag:s2], $0x80  }
0x7e: {  	[sflag:s2] =	ssyncset.done $0x0  }
0x7f: {  	[sflag:s2] =	ssyncadd.s32 $0xFFFFFF80  }
0x80: {  	[tilespmem:s24], [sflag:$0x1] =	stream.indirect.gather [hbm4b:s5+s23], $0x80, s4, s23, $0xb8;
	[tilespmem:$0x1BB00] =	vst v63  }
0x81: {  	_ =	swait.ge [sflag:s1], $0x3E80  }
0x82: {  	[sflag:s1] =	ssyncset.done $0x0  }
0x83: {  	[sflag:s1] =	ssyncadd.s32 $0xFFFFC180  }
0x84: {  	[tilespmem:s25], [sflag:$0x4] =	stream.linear.gather [hbm4b:s14+s4], $0x80, $0x38;
	[tilespmem:$0x1BB00] =	vst v63  }
0x85: {  	_ =	swait.ge [sflag:s6], $0x80  }
0x86: {  	[sflag:s6] =	ssyncset.done $0x0  }
0x87: {  	[sflag:s6] =	ssyncadd.s32 $0xFFFFFF80  }
0x88: {  	[spmem:s3] =	stream.indirect.scatter.add.f32 [tilespmem:s30], [sflag:$0x7], $0x80, s28, s23, $0xb8;
	[tilespmem:$0x1BB00] =	vst v63  }
0x89: {  	_ =	swait.ge [sflag:s22], $0x3E80  }
0x8a: {  	[sflag:s22] =	ssyncset.done $0x0  }
0x8b: {  	[sflag:s22] =	ssyncadd.s32 $0xFFFFC180  }
0x8c: {  	[tilespmem:s28], [sflag:$0x6] =	stream.linear.gather [hbm4b:s15+s4], $0x80, $0x38;
	[tilespmem:$0x1BB00] =	vst v63  }
0x8d: {  	_ =	swait.ge [sflag:s29], $0x80  }
0x8e: {  	[sflag:s29] =	ssyncset.done $0x0  }
0x8f: {  	[sflag:s29] =	ssyncadd.s32 $0xFFFFFF80  }
0x90: {  	[tilespmem:s30], [sflag:$0x2] =	stream.indirect.gather [hbm4b:s5+s23], $0x80, s25, s23, $0xb8;
	[tilespmem:$0x1BB00] =	vst v63  }
0x91: {  	_ =	swait.ge [sflag:s31], $0x3E80  }
0x92: {  	[sflag:s31] =	ssyncset.done $0x0  }
0x93: {  	[sflag:s31] =	ssyncadd.s32 $0xFFFFC180  }
0x94: {  	[tilespmem:s4], [sflag:$0x3] =	stream.linear.gather [hbm4b:s14+s4], $0x80, $0x38;
	[tilespmem:$0x1BB00] =	vst v63  }
0x95: {  	_ =	swait.ge [sflag:s0], $0x80  }
0x96: {  	[sflag:s0] =	ssyncset.done $0x0  }
0x97: {  	[sflag:s0] =	ssyncadd.s32 $0xFFFFFF80  }
0x98: {  	[spmem:s3] =	stream.indirect.scatter.add.f32 [tilespmem:s24], [sflag:$0x7], $0x80, s26, s23, $0xb8;
	[tilespmem:$0x1BB00] =	vst v63  }
0x99: {  	_ =	swait.ge [sflag:s22], $0x3E80  }
0x9a: {  	[sflag:s22] =	ssyncset.done $0x0  }
0x9b: {  	[sflag:s22] =	ssyncadd.s32 $0xFFFFC180  }
0x9c: {  	[tilespmem:s26], [sflag:$0x5] =	stream.linear.gather [hbm4b:s15+s4], $0x80, $0x38;
	[tilespmem:$0x1BB00] =	vst v63  }
0x9d: {  	_ =	swait.ge [sflag:s2], $0x80  }
0x9e: {  	[sflag:s2] =	ssyncset.done $0x0  }
0x9f: {  	[sflag:s2] =	ssyncadd.s32 $0xFFFFFF80  }
0xa0: {  	[tilespmem:s24], [sflag:$0x1] =	stream.indirect.gather [hbm4b:s5+s23], $0x80, s4, s23, $0xb8;
	[tilespmem:$0x1BB00] =	vst v63  }
0xa1: {  	_ =	swait.ge [sflag:s1], $0x3E80  }
0xa2: {  	[sflag:s1] =	ssyncset.done $0x0  }
0xa3: {  	[sflag:s1] =	ssyncadd.s32 $0xFFFFC180  }
0xa4: {  	[tilespmem:s25], [sflag:$0x4] =	stream.linear.gather [hbm4b:s14+s4], $0x80, $0x38;
	[tilespmem:$0x1BB00] =	vst v63  }
0xa5: {  	_ =	swait.ge [sflag:s6], $0x80  }
0xa6: {  	[sflag:s6] =	ssyncset.done $0x0  }
0xa7: {  	[sflag:s6] =	ssyncadd.s32 $0xFFFFFF80  }
0xa8: {  	[spmem:s3] =	stream.indirect.scatter.add.f32 [tilespmem:s30], [sflag:$0x7], $0x80, s28, s23, $0xb8;
	[tilespmem:$0x1BB00] =	vst v63  }
0xa9: {  	_ =	swait.ge [sflag:s22], $0x3E80  }
0xaa: {  	[sflag:s22] =	ssyncset.done $0x0  }
0xab: {  	[sflag:s22] =	ssyncadd.s32 $0xFFFFC180  }
0xac: {  	[tilespmem:s28], [sflag:$0x6] =	stream.linear.gather [hbm4b:s15+s4], $0x80, $0x38;
	[tilespmem:$0x1BB00] =	vst v63  }
0xad: {  	_ =	swait.ge [sflag:s31], $0x3E80  }
0xae: {  	[sflag:s31] =	ssyncset.done $0x0  }
0xaf: {  	[sflag:s31] =	ssyncadd.s32 $0xFFFFC180  }
0xb0: {  	_ =	swait.ge [sflag:s29], $0x80  }
0xb1: {  	[sflag:s29] =	ssyncset.done $0x0  }
0xb2: {  	[sflag:s29] =	ssyncadd.s32 $0xFFFFFF80  }
0xb3: {  	_ =	swait.ge [sflag:s0], $0x80  }
0xb4: {  	[sflag:s0] =	ssyncset.done $0x0  }
0xb5: {  	[sflag:s0] =	ssyncadd.s32 $0xFFFFFF80  }
0xb6: {  	_ =	swait.ge [sflag:s6], $0x80  }
0xb7: {  	[sflag:s6] =	ssyncset.done $0x0  }
0xb8: {  	s8 =	sadd.s32 $0x1, s8;
	[sflag:s6] =	ssyncadd.s32 $0xFFFFFF80  }
0xb9: {  	p0 =	sne.s32 s8, s13;
	[bflag:$0x0] =	sbarrier.arrive $0xFFFF  }
.Ltmp1:
0xba: {  	s10 =	rddreg [dreg:$0x9];
	(pc) =	sbr.rel @p0 .LBB2_1-.Ltmp1, $4  }
0xbb: {  	[hbm:s10], [sflag:s7] =	dma.local [spmem:s9], $0x2780  }
0xbc: {  	_ =	swait.ge [sflag:s22], $0x2780  }
0xbd: {  	[sflag:s22] =	ssyncset.done $0x0  }
0xbe: {  	[sflag:s22] =	ssyncadd.s32 $0xFFFFD880  }
0xbf: {  	_ =	sfence.sel $0x180000  }
0xc0: {  	[bflag:$0x0] =	sbarrier.arrive $0xFFFF  }
0xc1: {  	_ =	strace $0x9000004A  }
0xc2: {  	s0 =	stileid.u32;
	[bflag:$0x2] =	sbarrier.arrive $0xFFFF  }
0xc3: {  	p0 =	sne.s32 s0, $0x0;
	s0 =	rddreg [dreg:$0x3]  }
0xc4: {  	s0 =	sadd.s32 @!p0 $0x100000, s0  }
0xc5: {  	[sflag:s0] =	ssyncadd.tile.s32 @!p0 $0x1;
	_ =	shalt  }
.Lfunc_end2:
_tile_overlayer_lowered:
.L_overlay_start_2:
0xc6: {  	(tag) =	ssettag $0x2  }
0xc7: {  	s0 =	rddreg [dreg:$0x0];
	s2 =	stileid.u32  }
0xc8: {  	s1 =	rddreg [dreg:$0x1];
	p0 =	sne.s32 s2, $0x0  }
0xc9: {  	s3 =	rddreg [dreg:$0x2];
	[bflag:$0x3] =	sbarrier.arrive $0xFFFF;
	s2 =	simm.s32 @!p0 $0x1C07  }
0xca: {  	[timem:s3], [sflag:s2] =	dma.local @!p0 [hbm:s0], s1  }
0xcb: {  	s0 =	simm.s32 @!p0 $0x7  }
0xcc: {  	_ =	swait.ge @!p0 [sflag:s0], s1  }
0xcd: {  	s1 =	ssub.s32 @!p0 $0x0, s1;
	[sflag:s0] =	ssyncset.done @!p0 $0x0  }
0xce: {  	[sflag:s0] =	ssyncadd.s32 @!p0 s1  }
0xcf: {  	[bflag:$0x3] =	sbarrier.arrive $0xFFFF  }
0xd0: {  	_ =	shalt  }

// kernel: kernel.14.cloned.1.call-start
scs
__scs_entry_jumppad:
0x0: {  	(pc) =	sbr.rel $0x88, $3  }
0x1: {  	(tag) =	ssettag $0x0;
	lr =	simm.s32 $0x1  }
0x2: {  	[smem:$0x3F9B] =	sst lr;
	_ =	strace $0xD0000000  }
0x3: {  	_ = 	snop  }
0x4: {  	_ = 	snop  }
0x5: {  	_ = 	snop  }
0x6: {  	_ = 	snop  }
0x7: {  	_ = 	snop  }
__scs_overlays_trampoline_lowered:
0x8: {  	[smem:$0x3FAA] =	sst s0  }
0x9: {  	[smem:$0x3FAB] =	sst s1  }
0xa: {  	[smem:$0x3FAC] =	sst s2  }
0xb: {  	[smem:$0x3FAD] =	sst s3  }
0xc: {  	[smem:$0x3FAE] =	sst s4  }
0xd: {  	[smem:$0x3FAF] =	sst s5  }
0xe: {  	[smem:$0x3FB0] =	sst s6  }
0xf: {  	[smem:$0x3FB1] =	sst s7  }
0x10: {  	[smem:$0x3FB2] =	sst s8  }
0x11: {  	[smem:$0x3FB3] =	sst s9;
	s0 =	simm.s32 @!p0 $0x0  }
0x12: {  	s1 =	sld [smem:$0x3F99];
	s0 =	simm.s32 @p0 $0x1  }
0x13: {  	[smem:$0x3FB4] =	sst s0;
	s0 =	simm.s32 @!p1 $0x0  }
0x14: {  	s2 =	sld [smem:$0x3F98];
	s0 =	simm.s32 @p1 $0x1  }
0x15: {  	[smem:$0x3FB5] =	sst s0;
	s0 =	simm.s32 @!p2 $0x0  }
0x16: {  	s3 =	sld [smem:$0x3FDB];
	s0 =	simm.s32 @p2 $0x1  }
0x17: {  	s4 =	simm.s32 $0x1BF5;
	[smem:$0x3FB7] =	sst s0  }
0x18: {  	s0 =	sld [smem:$0x3F9A];
	_ =	swait.ge [sflag:s4], $0x0  }
0x19: {  	s7 =	sld [smem:$0x3F9B]  }
0x1a: {  	s8 =	sadd.s32 $0xFFFFE003, lr  }
0x1b: {  	s9 =	sadd.s32 $0xFFFFFEF7, lr;
	s5 =	simm.s32 $0xFFFFFFFF;
	p2 =	slt.u32 s8, $0xFFFFF086  }
0x1c: {  	p1 =	slt.u32 s9, $0xF7A;
	s5 =	simm.s32 @!p2 $0x0  }
0x1d: {  	s5 =	simm.s32 @p1 $0x1;
	p0 =	seq.s32 s7, s2  }
0x1e: {  	s7 =	smul.u32 @!p0 $0xF7A, s2;
	p2 =	seq.s32 @!p0 s5, $0x0  }
0x1f: {  	s9 =	smul.u32 $0xF7A, s1;
	s8 =	simm.s32 @!p0 $0x1BF5;
	p2 =	por !p2, p0  }
0x20: {  	[sflag:s8] =	ssyncset.s32 @!p0 $0xFFFFF086;
	s6 =	sadd.s32 @!p0 s3, s7;
	s7 =	simm.s32 @!p0 $0x108  }
0x21: {  	s3 =	sadd.s32 s3, s9;
	s6 =	sadd.s32 @!p0 $0x88, s6;
	s7 =	simm.s32 @p2 $0x1082  }
0x22: {  	[simem:s7], [sflag:s8] =	dma.local @!p0 [hbm:s6], $0xF7A  }
0x23: {  	s9 =	sor.u32 $0xD0000000, s2;
	s6 =	simm.s32 $0x108;
	_ =	swait.ge @!p0 [sflag:s8], $0x0  }
0x24: {  	s3 =	sadd.s32 $0x88, s3;
	s6 =	simm.s32 @!p1 $0x1082;
	[sflag:s4] =	ssyncset.s32 $0xFFFFF086  }
0x25: {  	[simem:s6], [sflag:s4] =	dma.local [hbm:s3], $0xF7A  }
0x26: {  	[smem:$0x3F9B] =	sst s1;
	(tag) =	ssettag s2;
	_ =	strace s9  }
0x27: {  	s1 =	sld [smem:$0x3FAB]  }
0x28: {  	s2 =	sld [smem:$0x3FAC]  }
0x29: {  	s4 =	sld [smem:$0x3FAE]  }
0x2a: {  	p0 =	seq.s32 s5, $0x0;
	s5 =	sld [smem:$0x3FAF]  }
0x2b: {  	s6 =	sld [smem:$0x3FB0]  }
0x2c: {  	s7 =	sld [smem:$0x3FB1]  }
0x2d: {  	s3 =	simm.s32 $0x108;
	s8 =	sld [smem:$0x3FB2]  }
0x2e: {  	s3 =	simm.s32 @!p0 $0x1082;
	s9 =	sld [smem:$0x3FB3]  }
0x2f: {  	lr =	sadd.s32 s0, s3;
	s0 =	sld [smem:$0x3FAA]  }
0x30: {  	s3 =	sld [smem:$0x3FAD]  }
0x31: {  	[smem:$0x3FB6] =	sst s10  }
0x32: {  	s10 =	sld [smem:$0x3FB4];
	_ =	sdelay $0x3  }
0x33: {  	p0 =	seq.s32 s10, $0x1;
	s10 =	sld [smem:$0x3FB6];
	_ =	sdelay $0x3  }
0x34: {  	[smem:$0x3FB6] =	sst s10  }
0x35: {  	s10 =	sld [smem:$0x3FB5];
	_ =	sdelay $0x3  }
0x36: {  	p1 =	seq.s32 s10, $0x1;
	s10 =	sld [smem:$0x3FB6];
	_ =	sdelay $0x3  }
0x37: {  	[smem:$0x3FB6] =	sst s10  }
0x38: {  	s10 =	sld [smem:$0x3FB7]  }
0x39: {  	_ = 	snop;
	(pc) =	sbr.ind lr, $3  }
0x3a: {  	_ = 	snop  }
0x3b: {  	_ = 	snop  }
0x3c: {  	p2 =	seq.s32 s10, $0x1;
	s10 =	sld [smem:$0x3FB6]  }
0x3d: {  	_ =	shalt  }
0x3e: {  	_ =	shalt  }
0x3f: {  	_ =	shalt  }
0x40: {  	_ =	shalt  }
0x41: {  	_ =	shalt  }
0x42: {  	_ =	shalt  }
0x43: {  	_ =	shalt  }
0x44: {  	_ =	shalt  }
0x45: {  	_ =	shalt  }
0x46: {  	_ =	shalt  }
0x47: {  	_ =	shalt  }
0x48: {  	_ =	shalt  }
0x49: {  	_ =	shalt  }
0x4a: {  	_ =	shalt  }
0x4b: {  	_ =	shalt  }
0x4c: {  	_ =	shalt  }
0x4d: {  	_ =	shalt  }
0x4e: {  	_ =	shalt  }
0x4f: {  	_ =	shalt  }
0x50: {  	_ =	shalt  }
0x51: {  	_ =	shalt  }
0x52: {  	_ =	shalt  }
0x53: {  	_ =	shalt  }
0x54: {  	_ =	shalt  }
0x55: {  	_ =	shalt  }
0x56: {  	_ =	shalt  }
0x57: {  	_ =	shalt  }
0x58: {  	_ =	shalt  }
0x59: {  	_ =	shalt  }
0x5a: {  	_ =	shalt  }
0x5b: {  	_ =	shalt  }
0x5c: {  	_ =	shalt  }
0x5d: {  	_ =	shalt  }
0x5e: {  	_ =	shalt  }
0x5f: {  	_ =	shalt  }
0x60: {  	_ =	shalt  }
0x61: {  	_ =	shalt  }
0x62: {  	_ =	shalt  }
0x63: {  	_ =	shalt  }
0x64: {  	_ =	shalt  }
0x65: {  	_ =	shalt  }
0x66: {  	_ =	shalt  }
0x67: {  	_ =	shalt  }
0x68: {  	_ =	shalt  }
0x69: {  	_ =	shalt  }
0x6a: {  	_ =	shalt  }
0x6b: {  	_ =	shalt  }
0x6c: {  	_ =	shalt  }
0x6d: {  	_ =	shalt  }
0x6e: {  	_ =	shalt  }
0x6f: {  	_ =	shalt  }
0x70: {  	_ =	shalt  }
0x71: {  	_ =	shalt  }
0x72: {  	_ =	shalt  }
0x73: {  	_ =	shalt  }
0x74: {  	_ =	shalt  }
0x75: {  	_ =	shalt  }
0x76: {  	_ =	shalt  }
0x77: {  	_ =	shalt  }
0x78: {  	_ =	shalt  }
0x79: {  	_ =	shalt  }
0x7a: {  	_ =	shalt  }
0x7b: {  	_ =	shalt  }
0x7c: {  	_ =	shalt  }
0x7d: {  	_ =	shalt  }
0x7e: {  	_ =	shalt  }
0x7f: {  	_ =	shalt  }
0x80: {  	_ =	shalt  }
0x81: {  	_ =	shalt  }
0x82: {  	_ =	shalt  }
0x83: {  	_ =	shalt  }
0x84: {  	_ =	shalt  }
0x85: {  	_ =	shalt  }
0x86: {  	_ =	shalt  }
0x87: {  	_ =	shalt  }
.Lfunc_end0:
.L_simem_size_0:
called_computation.2_lowered:
.L_overlay_start_0:
0x88: {  	s2 =	sld [smem:$0x3FD9]  }
0x89: {  	s3 =	sld [smem:$0x3FFE];
	_ =	sdelay $0x1  }
0x8a: {  	s1 =	srdreg.scid  }
0x8b: {  	s0 =	sand.u32 $0x1, s1  }
0x8c: {  	s17 =	sshll.u32 s0, $0xA;
	s2 =	sadd.s32 s3, s2  }
0x8d: {  	s2 =	sadd.s32 s2, s17  }
0x8e: {  	[smem:$0x3FC2] =	sst s2  }
0x8f: {  	_ = 	snop  }
0x90: {  	s2 =	sld [smem:$0x3FD0];
	(tm) =	ssettm $0x1  }
0x91: {  	s18 =	sld [smem:$0x3FFB];
	_ =	sdelay $0x3  }
0x92: {  	_ =	strace s18  }
0x93: {  	s3 =	sld [smem:$0x3FFC];
	_ =	sdelay $0x3  }
0x94: {  	_ =	strace s3  }
0x95: {  	s3 =	sld [smem:$0x3FFD];
	_ =	sdelay $0x3  }
0x96: {  	_ =	strace s3  }
0x97: {  	_ =	strace $0x8FFFFFFF  }
0x98: {  	s19 =	sld [smem:$0x3FDB];
	_ =	sdelay $0x1  }
0x99: {  	s4 =	simm.s32 $_scs_section_size  }
0x9a: {  	s5 =	simm.s32 $_size__tile_overlayer_lowered;
	s6 =	simm.s32 $_tile_overlayer_lowered  }
0x9b: {  	s22 =	simm.s32 $0x1BFF;
	s21 =	sshll.u32 s6, $0x1;
	s3 =	sadd.s32 s4, s19  }
0x9c: {  	s7 =	simm.s32 $0x0;
	s20 =	sshll.u32 s5, $0x1;
	s5 =	sadd.s32 s21, s3  }
0x9d: {  	[timem:s7], [sflag:s22] =	dma.local [hbm:s5], s20  }
0x9e: {  	_ =	swait.ge [sflag:s22], s20  }
0x9f: {  	s4 =	ssub.s32 $0x0, s20;
	[sflag:s22] =	ssyncset.done $0x0  }
0xa0: {  	[sflag:s22] =	ssyncadd.s32 s4;
	_ =	sdelay $0x1  }
0xa1: {  	s23 =	simm.s32 $0x1B8B  }
0xa2: {  	_ =	swait.ge [sflag:s23], $0x1  }
0xa3: {  	[sflag:s23] =	ssyncset.done $0x0  }
0xa4: {  	s25 =	simm.s32 $0x1B8E;
	s24 =	sld [smem:$0x3FFE];
	[sflag:s23] =	ssyncadd.s32 $0xFFFFFFFF  }
0xa5: {  	s26 =	simm.s32 $execute0_lowered;
	[smem:$0x3FD2] =	sst s25  }
0xa6: {  	s5 =	sshll.u32 s26, $0x1;
	_ =	strace $0x8000004C;
	[dreg:$0x1] =	wrdreg $0xFFFFFFFF  }
0xa7: {  	s28 =	simm.s32 $_size_execute0_lowered;
	s3 =	sadd.s32 s3, s5;
	[dreg:$0x0] =	wrdreg $0x0  }
0xa8: {  	s5 =	sshll.u32 s28, $0x1;
	[dreg:$0x2] =	wrdreg s3  }
0xa9: {  	[dreg:$0x3] =	wrdreg s5  }
0xaa: {  	[dreg:$0x4] =	wrdreg $0xC0  }
0xab: {  	_ =	task [dreg:s7], $0x5FFFF  }
0xac: {  	[dreg:$0x1] =	wrdreg $0xFFFFFFFF  }
0xad: {  	[dreg:$0x0] =	wrdreg $0x60  }
0xae: {  	[dreg:$0x2] =	wrdreg s2  }
0xaf: {  	[dreg:$0x3] =	wrdreg s24  }
0xb0: {  	[dreg:$0x4] =	wrdreg $0x8E800  }
0xb1: {  	[dreg:$0x5] =	wrdreg $0x9  }
0xb2: {  	_ =	task.clear_ibuf [dreg:s7], $0x6FFFF;
	_ =	strace $0x9000004C  }
0xb3: {  	s29 =	simm.s32 $0x9;
	_ =	strace $0x8000004E  }
0xb4: {  	_ =	swait.ge [sflag:s29], $0x1  }
0xb5: {  	[sflag:s29] =	ssyncadd.s32 $0xFFFFFFFF  }
0xb6: {  	_ =	strace $0x9000004E  }
0xb7: {  	_ =	sfence  }
0xb8: {  	s30 =	sld [smem:$0x0];
	_ =	sdelay $0x2  }
0xb9: {  	s31 =	sshll.u32 s1, $0xD;
	s1 =	sshrl.u32 s1, $0x2  }
0xba: {  	s3 =	sand.u32 $0x4000, s31;
	s1 =	sadd.s32 s1, s30  }
0xbb: {  	s0 =	sor.u32 s3, s0;
	s1 =	sshll.u32 s1, $0x11  }
0xbc: {  	s0 =	sor.u32 s1, s0  }
0xbd: {  	s0 =	sadd.s32 $0x8F2B, s0  }
0xbe: {  	[sflag:s0] =	ssyncadd.remote.s32 $0x1  }
0xbf: {  	_ =	sfence.sel $0xFFFF  }
0xc0: {  	[dreg:$0x0] =	wrdreg $0xFFFFFFFF;
	(pc) =	sbr.abs _section_cstart, $3  }
0xc1: {  	[dreg:$0x1] =	wrdreg $0xFFFFFFFF  }
0xc2: {  	_ =	task.clear_ibuf [dreg:s7], $0x2FFFF;
	_ =	strace $0x9FFFFFFF  }
0xc3: {  	(tm) =	ssettm $0x7FFFFFFF  }
tec
execute0_lowered:
.L_overlay_start_1:
0x0: {  	(tag) =	ssettag $0x1  }
0x1: {  	s1 =	rddreg [dreg:$0x0]  }
0x2: {  	s2 =	srdreg.scid;
	s6 =	rddreg [dreg:$0x1]  }
0x3: {  	s0 =	stileid.u32;
	s3 =	rddreg [dreg:$0x2];
	s4 =	simm.s32 $0x0  }
0x4: {  	s14 =	simm.s32 $0x7D;
	s15 =	simm.s32 $0x5000;
	s16 =	simm.s32 $0x6F40  }
0x5: {  	s17 =	simm.s32 $0x1;
	s18 =	simm.s32 $0x2;
	s19 =	simm.s32 $0x2780  }
0x6: {  	s20 =	simm.s32 $0x4F00;
	s21 =	simm.s32 $0x4F80;
	s22 =	simm.s32 $0x0  }
0x7: {  	s5 =	sand.u32 $0x1, s2;
	s28 =	sshll.u32 s0, $0x1;
	s8 =	smul.u32 $0x9E00, s0  }
0x8: {  	[smem:$0x7FF] =	sst s4;
	s31 =	sshll.u32 s0, $0x6;
	s2 =	sor.u32 s5, s28  }
0x9: {  	s9 =	smul.u32 $0x9E000, s5;
	s30 =	ssub.s32 $0x2, s5;
	s5 =	sadd.s32 $0x16200, s6  }
0xa: {  	s7 =	smul.u32 $0x500, s2;
	s2 =	rddreg [dreg:$0x3];
	_ =	strace $0x8000004D  }
0xb: {  	s11 =	sshrl.u32 s30, $0x1;
	s13 =	sadd.s32 s8, s3;
	s29 =	sadd.s32 s8, s9  }
0xc: {  	s11 =	ssub.s32 s30, s11;
	s10 =	sadd.s32 s7, s6;
	s7 =	sshrl.u32 s29, $0x3  }
0xd: {  	s12 =	sadd.s32 s7, s6;
	s6 =	sor.u32 $0x1C03, s31;
	s7 =	sadd.s32 $0xC200, s10  }
0xe: {  	s8 =	sadd.s32 $0x1A00, s10;
	s10 =	smax.u32 s11, $0x1;
	s11 =	sshrl.u32 s13, $0x3  }
0xf: {  	s13 =	simm.s32 $0x2800;
	s9 =	sadd.s32 $0x64600, s12;
	s12 =	simm.s32 $0x3  }
.LBB2_1:
0x10: {  	[spmem:s11], [sflag:s6] =	dma.local [hbm:s5], $0x13C0  }
0x11: {  	_ =	swait.ge [sflag:s12], $0x13C0  }
0x12: {  	[sflag:s12] =	ssyncset.done $0x0  }
0x13: {  	[sflag:s12] =	ssyncadd.s32 $0xFFFFEC40  }
0x14: {  	[tilespmem:s4], [sflag:$0x3] =	stream.linear.gather [hbm4b:s7+s4], $0x2800, $0x38;
	[tilespmem:$0x12C80] =	vst v63  }
0x15: {  	_ =	swait.ge [sflag:s12], $0x2800  }
0x16: {  	[sflag:s12] =	ssyncset.done $0x0  }
0x17: {  	[sflag:s12] =	ssyncadd.s32 $0xFFFFD800  }
0x18: {  	[tilespmem:s13], [sflag:$0x3] =	stream.linear.gather [hbm4b:s8+s4], $0x2800, $0x38;
	[tilespmem:$0x12C80] =	vst v63  }
0x19: {  	_ =	swait.ge [sflag:s12], $0x2800  }
0x1a: {  	[sflag:s12] =	ssyncset.done $0x0  }
0x1b: {  	[sflag:s12] =	ssyncadd.s32 $0xFFFFD800  }
0x1c: {  	[bflag:$0x0] =	sbarrier.arrive $0xFFFF  }
0x1d: {  	[tilespmem:s15], [sflag:$0x1] =	stream.indirect.gather [hbm4b:s1+s14], $0x40, s4, s14, $0xb8;
	[tilespmem:$0x12C80] =	vst v63  }
0x1e: {  	s23 =	simm.s32 $0x80  }
0x1f: {  	[tilespmem:s16], [sflag:$0x2] =	stream.indirect.gather [hbm4b:s1+s14], $0x40, s23, s14, $0xb8;
	[tilespmem:$0x12C80] =	vst v63  }
0x20: {  	_ =	swait.ge [sflag:s17], $0x1F40  }
0x21: {  	[sflag:s17] =	ssyncset.done $0x0  }
0x22: {  	s29 =	simm.s32 $0x2800;
	[sflag:s17] =	ssyncadd.s32 $0xFFFFE0C0  }
0x23: {  	[spmem:s3] =	stream.indirect.scatter.add.f32 [tilespmem:s15], [sflag:$0x3], $0x40, s29, s14, $0xb8;
	[tilespmem:$0x12C80] =	vst v63  }
0x24: {  	_ =	swait.ge [sflag:s12], $0x1F40  }
0x25: {  	[sflag:s12] =	ssyncset.done $0x0  }
0x26: {  	s30 =	simm.s32 $0x100;
	[sflag:s12] =	ssyncadd.s32 $0xFFFFE0C0  }
0x27: {  	[tilespmem:s15], [sflag:$0x1] =	stream.indirect.gather [hbm4b:s1+s14], $0x40, s30, s14, $0xb8;
	[tilespmem:$0x12C80] =	vst v63  }
0x28: {  	_ =	swait.ge [sflag:s18], $0x1F40  }
0x29: {  	[sflag:s18] =	ssyncset.done $0x0  }
0x2a: {  	s31 =	simm.s32 $0x2880;
	[sflag:s18] =	ssyncadd.s32 $0xFFFFE0C0  }
0x2b: {  	[spmem:s3] =	stream.indirect.scatter.add.f32 [tilespmem:s16], [sflag:$0x3], $0x40, s31, s14, $0xb8;
	[tilespmem:$0x12C80] =	vst v63  }
0x2c: {  	_ =	swait.ge [sflag:s12], $0x1F40  }
0x2d: {  	s24 =	simm.s32 $0x800;
	s23 =	simm.s32 $0x100;
	[sflag:s12] =	ssyncset.done $0x0  }
.LBB2_2:
0x2e: {  	s25 =	sadd.s32 $0x80, s23  }
0x2f: {  	[sflag:s12] =	ssyncadd.s32 $0xFFFFE0C0;
	s26 =	smov.u32 s24;
	s28 =	sadd.s32 $0x400, s24  }
0x30: {  	[tilespmem:s16], [sflag:$0x2] =	stream.indirect.gather [hbm4b:s1+s14], $0x40, s25, s14, $0xb8;
	[tilespmem:$0x12C80] =	vst v63  }
0x31: {  	p0 =	sne.s32 s24, $0x9800;
	_ =	swait.ge [sflag:s17], $0x1F40  }
0x32: {  	[sflag:s17] =	ssyncset.done $0x0  }
0x33: {  	s24 =	sadd.s32 $0x2800, s23;
	[sflag:s17] =	ssyncadd.s32 $0xFFFFE0C0  }
0x34: {  	[spmem:s3] =	stream.indirect.scatter.add.f32 [tilespmem:s15], [sflag:$0x3], $0x40, s24, s14, $0xb8;
	[tilespmem:$0x12C80] =	vst v63  }
0x35: {  	_ =	swait.ge [sflag:s12], $0x1F40  }
0x36: {  	[sflag:s12] =	ssyncset.done $0x0  }
0x37: {  	s24 =	sadd.s32 $0x100, s23;
	[sflag:s12] =	ssyncadd.s32 $0xFFFFE0C0  }
0x38: {  	[tilespmem:s15], [sflag:$0x1] =	stream.indirect.gather [hbm4b:s1+s14], $0x40, s24, s14, $0xb8;
	[tilespmem:$0x12C80] =	vst v63  }
0x39: {  	_ =	swait.ge [sflag:s18], $0x1F40  }
.Ltmp0:
0x3a: {  	[sflag:s18] =	ssyncset.done $0x0;
	(pc) =	sbr.rel @p0 .LBB2_2-.Ltmp0, $4  }
0x3b: {  	s23 =	sadd.s32 $0x2880, s23;
	[sflag:s18] =	ssyncadd.s32 $0xFFFFE0C0  }
0x3c: {  	[spmem:s3] =	stream.indirect.scatter.add.f32 [tilespmem:s16], [sflag:$0x3], $0x40, s23, s14, $0xb8;
	[tilespmem:$0x12C80] =	vst v63  }
0x3d: {  	_ =	swait.ge [sflag:s12], $0x1F40  }
0x3e: {  	s24 =	smov.u32 s28;
	s23 =	sshra.s32 s26, $0x2;
	[sflag:s12] =	ssyncset.done $0x0  }
0x3f: {  	s24 =	sadd.s32 $0x80, s23;
	[sflag:s12] =	ssyncadd.s32 $0xFFFFE0C0  }
0x40: {  	[tilespmem:s16], [sflag:$0x2] =	stream.indirect.gather [hbm4b:s1+s14], $0x40, s24, s14, $0xb8;
	[tilespmem:$0x12C80] =	vst v63  }
0x41: {  	_ =	swait.ge [sflag:s17], $0x1F40  }
0x42: {  	[sflag:s17] =	ssyncset.done $0x0  }
0x43: {  	s29 =	sadd.s32 $0x2800, s23;
	[sflag:s17] =	ssyncadd.s32 $0xFFFFE0C0  }
0x44: {  	[spmem:s3] =	stream.indirect.scatter.add.f32 [tilespmem:s15], [sflag:$0x3], $0x40, s29, s14, $0xb8;
	[tilespmem:$0x12C80] =	vst v63  }
0x45: {  	_ =	swait.ge [sflag:s12], $0x1F40  }
0x46: {  	[sflag:s12] =	ssyncset.done $0x0  }
0x47: {  	s30 =	sadd.s32 $0x100, s23;
	[sflag:s12] =	ssyncadd.s32 $0xFFFFE0C0  }
0x48: {  	[tilespmem:s15], [sflag:$0x1] =	stream.indirect.gather [hbm4b:s1+s14], $0x40, s30, s14, $0xb8;
	[tilespmem:$0x12C80] =	vst v63  }
0x49: {  	_ =	swait.ge [sflag:s18], $0x1F40  }
0x4a: {  	[sflag:s18] =	ssyncset.done $0x0  }
0x4b: {  	s31 =	sadd.s32 $0x2880, s23;
	[sflag:s18] =	ssyncadd.s32 $0xFFFFE0C0  }
0x4c: {  	[spmem:s3] =	stream.indirect.scatter.add.f32 [tilespmem:s16], [sflag:$0x3], $0x40, s31, s14, $0xb8;
	[tilespmem:$0x12C80] =	vst v63  }
0x4d: {  	_ =	swait.ge [sflag:s12], $0x1F40  }
0x4e: {  	[sflag:s12] =	ssyncset.done $0x0  }
0x4f: {  	[sflag:s12] =	ssyncadd.s32 $0xFFFFE0C0  }
0x50: {  	[tilespmem:s16], [sflag:$0x2] =	stream.indirect.gather [hbm4b:s1+s14], $0x40, s19, s14, $0xb8;
	[tilespmem:$0x12C80] =	vst v63  }
0x51: {  	_ =	swait.ge [sflag:s17], $0x1F40  }
0x52: {  	[sflag:s17] =	ssyncset.done $0x0  }
0x53: {  	[sflag:s17] =	ssyncadd.s32 $0xFFFFE0C0  }
0x54: {  	[spmem:s3] =	stream.indirect.scatter.add.f32 [tilespmem:s15], [sflag:$0x3], $0x40, s20, s14, $0xb8;
	[tilespmem:$0x12C80] =	vst v63  }
0x55: {  	_ =	swait.ge [sflag:s12], $0x1F40  }
0x56: {  	[sflag:s12] =	ssyncset.done $0x0  }
0x57: {  	[sflag:s12] =	ssyncadd.s32 $0xFFFFE0C0  }
0x58: {  	[tilespmem:s15], [sflag:$0x1] =	stream.indirect.gather [hbm4b:s1+s14], $0x40, s19, s14, $0xb8;
	[tilespmem:$0x12C80] =	vst v63  }
0x59: {  	_ =	swait.ge [sflag:s18], $0x1F40  }
0x5a: {  	[sflag:s18] =	ssyncset.done $0x0  }
0x5b: {  	[sflag:s18] =	ssyncadd.s32 $0xFFFFE0C0  }
0x5c: {  	[spmem:s3] =	stream.indirect.scatter.add.f32 [tilespmem:s16], [sflag:$0x3], $0x40, s21, s14, $0xb8;
	[tilespmem:$0x12C80] =	vst v63  }
0x5d: {  	_ =	swait.ge [sflag:s12], $0x1F40  }
0x5e: {  	[sflag:s12] =	ssyncset.done $0x0  }
0x5f: {  	[sflag:s12] =	ssyncadd.s32 $0xFFFFE0C0  }
0x60: {  	_ =	swait.ge [sflag:s17], $0x1F40  }
0x61: {  	s22 =	sadd.s32 $0x1, s22;
	[sflag:s17] =	ssyncset.done $0x0  }
0x62: {  	p0 =	sne.s32 s22, s10;
	[sflag:s17] =	ssyncadd.s32 $0xFFFFE0C0  }
.Ltmp1:
0x63: {  	[bflag:$0x0] =	sbarrier.arrive $0xFFFF;
	(pc) =	sbr.rel @p0 .LBB2_1-.Ltmp1, $4  }
0x64: {  	[hbm:s9], [sflag:s6] =	dma.local [spmem:s11], $0x13C0  }
0x65: {  	_ =	swait.ge [sflag:s12], $0x13C0  }
0x66: {  	[sflag:s12] =	ssyncset.done $0x0  }
0x67: {  	[sflag:s12] =	ssyncadd.s32 $0xFFFFEC40  }
0x68: {  	_ =	sfence.sel $0x180000  }
0x69: {  	[bflag:$0x0] =	sbarrier.arrive $0xFFFF  }
0x6a: {  	p0 =	sne.s32 s0, $0x0;
	_ =	strace $0x9000004D  }
0x6b: {  	s0 =	sadd.s32 @!p0 $0x100000, s2;
	[bflag:$0x2] =	sbarrier.arrive $0xFFFF  }
0x6c: {  	[sflag:s0] =	ssyncadd.tile.s32 @!p0 $0x1;
	_ =	shalt  }
.Lfunc_end2:
_tile_overlayer_lowered:
.L_overlay_start_2:
0x6d: {  	(tag) =	ssettag $0x2  }
0x6e: {  	s0 =	rddreg [dreg:$0x0];
	s2 =	stileid.u32  }
0x6f: {  	s1 =	rddreg [dreg:$0x1];
	p0 =	sne.s32 s2, $0x0  }
0x70: {  	s3 =	rddreg [dreg:$0x2];
	[bflag:$0x3] =	sbarrier.arrive $0xFFFF;
	s2 =	simm.s32 @!p0 $0x1C03  }
0x71: {  	[timem:s3], [sflag:s2] =	dma.local @!p0 [hbm:s0], s1  }
0x72: {  	s0 =	simm.s32 @!p0 $0x3  }
0x73: {  	_ =	swait.ge @!p0 [sflag:s0], s1  }
0x74: {  	s1 =	ssub.s32 @!p0 $0x0, s1;
	[sflag:s0] =	ssyncset.done @!p0 $0x0  }
0x75: {  	[sflag:s0] =	ssyncadd.s32 @!p0 s1  }
0x76: {  	[bflag:$0x3] =	sbarrier.arrive $0xFFFF  }
0x77: {  	_ =	shalt  }

// kernel: kernel.8.cloned.1.call-start
scs
__scs_entry_jumppad:
0x0: {  	(pc) =	sbr.rel $0x88, $3  }
0x1: {  	(tag) =	ssettag $0x0;
	lr =	simm.s32 $0x1  }
0x2: {  	[smem:$0x3F9B] =	sst lr;
	_ =	strace $0xD0000000  }
0x3: {  	_ = 	snop  }
0x4: {  	_ = 	snop  }
0x5: {  	_ = 	snop  }
0x6: {  	_ = 	snop  }
0x7: {  	_ = 	snop  }
__scs_overlays_trampoline_lowered:
0x8: {  	[smem:$0x3FAA] =	sst s0  }
0x9: {  	[smem:$0x3FAB] =	sst s1  }
0xa: {  	[smem:$0x3FAC] =	sst s2  }
0xb: {  	[smem:$0x3FAD] =	sst s3  }
0xc: {  	[smem:$0x3FAE] =	sst s4  }
0xd: {  	[smem:$0x3FAF] =	sst s5  }
0xe: {  	[smem:$0x3FB0] =	sst s6  }
0xf: {  	[smem:$0x3FB1] =	sst s7  }
0x10: {  	[smem:$0x3FB2] =	sst s8  }
0x11: {  	[smem:$0x3FB3] =	sst s9;
	s0 =	simm.s32 @!p0 $0x0  }
0x12: {  	s1 =	sld [smem:$0x3F99];
	s0 =	simm.s32 @p0 $0x1  }
0x13: {  	[smem:$0x3FB4] =	sst s0;
	s0 =	simm.s32 @!p1 $0x0  }
0x14: {  	s2 =	sld [smem:$0x3F98];
	s0 =	simm.s32 @p1 $0x1  }
0x15: {  	[smem:$0x3FB5] =	sst s0;
	s0 =	simm.s32 @!p2 $0x0  }
0x16: {  	s3 =	sld [smem:$0x3FDB];
	s0 =	simm.s32 @p2 $0x1  }
0x17: {  	s4 =	simm.s32 $0x1BF5;
	[smem:$0x3FB7] =	sst s0  }
0x18: {  	s0 =	sld [smem:$0x3F9A];
	_ =	swait.ge [sflag:s4], $0x0  }
0x19: {  	s7 =	sld [smem:$0x3F9B]  }
0x1a: {  	s8 =	sadd.s32 $0xFFFFE003, lr  }
0x1b: {  	s9 =	sadd.s32 $0xFFFFFEF7, lr;
	s5 =	simm.s32 $0xFFFFFFFF;
	p2 =	slt.u32 s8, $0xFFFFF086  }
0x1c: {  	p1 =	slt.u32 s9, $0xF7A;
	s5 =	simm.s32 @!p2 $0x0  }
0x1d: {  	s5 =	simm.s32 @p1 $0x1;
	p0 =	seq.s32 s7, s2  }
0x1e: {  	s7 =	smul.u32 @!p0 $0xF7A, s2;
	p2 =	seq.s32 @!p0 s5, $0x0  }
0x1f: {  	s9 =	smul.u32 $0xF7A, s1;
	s8 =	simm.s32 @!p0 $0x1BF5;
	p2 =	por !p2, p0  }
0x20: {  	[sflag:s8] =	ssyncset.s32 @!p0 $0xFFFFF086;
	s6 =	sadd.s32 @!p0 s3, s7;
	s7 =	simm.s32 @!p0 $0x108  }
0x21: {  	s3 =	sadd.s32 s3, s9;
	s6 =	sadd.s32 @!p0 $0x88, s6;
	s7 =	simm.s32 @p2 $0x1082  }
0x22: {  	[simem:s7], [sflag:s8] =	dma.local @!p0 [hbm:s6], $0xF7A  }
0x23: {  	s9 =	sor.u32 $0xD0000000, s2;
	s6 =	simm.s32 $0x108;
	_ =	swait.ge @!p0 [sflag:s8], $0x0  }
0x24: {  	s3 =	sadd.s32 $0x88, s3;
	s6 =	simm.s32 @!p1 $0x1082;
	[sflag:s4] =	ssyncset.s32 $0xFFFFF086  }
0x25: {  	[simem:s6], [sflag:s4] =	dma.local [hbm:s3], $0xF7A  }
0x26: {  	[smem:$0x3F9B] =	sst s1;
	(tag) =	ssettag s2;
	_ =	strace s9  }
0x27: {  	s1 =	sld [smem:$0x3FAB]  }
0x28: {  	s2 =	sld [smem:$0x3FAC]  }
0x29: {  	s4 =	sld [smem:$0x3FAE]  }
0x2a: {  	p0 =	seq.s32 s5, $0x0;
	s5 =	sld [smem:$0x3FAF]  }
0x2b: {  	s6 =	sld [smem:$0x3FB0]  }
0x2c: {  	s7 =	sld [smem:$0x3FB1]  }
0x2d: {  	s3 =	simm.s32 $0x108;
	s8 =	sld [smem:$0x3FB2]  }
0x2e: {  	s3 =	simm.s32 @!p0 $0x1082;
	s9 =	sld [smem:$0x3FB3]  }
0x2f: {  	lr =	sadd.s32 s0, s3;
	s0 =	sld [smem:$0x3FAA]  }
0x30: {  	s3 =	sld [smem:$0x3FAD]  }
0x31: {  	[smem:$0x3FB6] =	sst s10  }
0x32: {  	s10 =	sld [smem:$0x3FB4];
	_ =	sdelay $0x3  }
0x33: {  	p0 =	seq.s32 s10, $0x1;
	s10 =	sld [smem:$0x3FB6];
	_ =	sdelay $0x3  }
0x34: {  	[smem:$0x3FB6] =	sst s10  }
0x35: {  	s10 =	sld [smem:$0x3FB5];
	_ =	sdelay $0x3  }
0x36: {  	p1 =	seq.s32 s10, $0x1;
	s10 =	sld [smem:$0x3FB6];
	_ =	sdelay $0x3  }
0x37: {  	[smem:$0x3FB6] =	sst s10  }
0x38: {  	s10 =	sld [smem:$0x3FB7]  }
0x39: {  	_ = 	snop;
	(pc) =	sbr.ind lr, $3  }
0x3a: {  	_ = 	snop  }
0x3b: {  	_ = 	snop  }
0x3c: {  	p2 =	seq.s32 s10, $0x1;
	s10 =	sld [smem:$0x3FB6]  }
0x3d: {  	_ =	shalt  }
0x3e: {  	_ =	shalt  }
0x3f: {  	_ =	shalt  }
0x40: {  	_ =	shalt  }
0x41: {  	_ =	shalt  }
0x42: {  	_ =	shalt  }
0x43: {  	_ =	shalt  }
0x44: {  	_ =	shalt  }
0x45: {  	_ =	shalt  }
0x46: {  	_ =	shalt  }
0x47: {  	_ =	shalt  }
0x48: {  	_ =	shalt  }
0x49: {  	_ =	shalt  }
0x4a: {  	_ =	shalt  }
0x4b: {  	_ =	shalt  }
0x4c: {  	_ =	shalt  }
0x4d: {  	_ =	shalt  }
0x4e: {  	_ =	shalt  }
0x4f: {  	_ =	shalt  }
0x50: {  	_ =	shalt  }
0x51: {  	_ =	shalt  }
0x52: {  	_ =	shalt  }
0x53: {  	_ =	shalt  }
0x54: {  	_ =	shalt  }
0x55: {  	_ =	shalt  }
0x56: {  	_ =	shalt  }
0x57: {  	_ =	shalt  }
0x58: {  	_ =	shalt  }
0x59: {  	_ =	shalt  }
0x5a: {  	_ =	shalt  }
0x5b: {  	_ =	shalt  }
0x5c: {  	_ =	shalt  }
0x5d: {  	_ =	shalt  }
0x5e: {  	_ =	shalt  }
0x5f: {  	_ =	shalt  }
0x60: {  	_ =	shalt  }
0x61: {  	_ =	shalt  }
0x62: {  	_ =	shalt  }
0x63: {  	_ =	shalt  }
0x64: {  	_ =	shalt  }
0x65: {  	_ =	shalt  }
0x66: {  	_ =	shalt  }
0x67: {  	_ =	shalt  }
0x68: {  	_ =	shalt  }
0x69: {  	_ =	shalt  }
0x6a: {  	_ =	shalt  }
0x6b: {  	_ =	shalt  }
0x6c: {  	_ =	shalt  }
0x6d: {  	_ =	shalt  }
0x6e: {  	_ =	shalt  }
0x6f: {  	_ =	shalt  }
0x70: {  	_ =	shalt  }
0x71: {  	_ =	shalt  }
0x72: {  	_ =	shalt  }
0x73: {  	_ =	shalt  }
0x74: {  	_ =	shalt  }
0x75: {  	_ =	shalt  }
0x76: {  	_ =	shalt  }
0x77: {  	_ =	shalt  }
0x78: {  	_ =	shalt  }
0x79: {  	_ =	shalt  }
0x7a: {  	_ =	shalt  }
0x7b: {  	_ =	shalt  }
0x7c: {  	_ =	shalt  }
0x7d: {  	_ =	shalt  }
0x7e: {  	_ =	shalt  }
0x7f: {  	_ =	shalt  }
0x80: {  	_ =	shalt  }
0x81: {  	_ =	shalt  }
0x82: {  	_ =	shalt  }
0x83: {  	_ =	shalt  }
0x84: {  	_ =	shalt  }
0x85: {  	_ =	shalt  }
0x86: {  	_ =	shalt  }
0x87: {  	_ =	shalt  }
.Lfunc_end0:
.L_simem_size_0:
called_computation_lowered:
.L_overlay_start_0:
0x88: {  	s2 =	sld [smem:$0x3FD9]  }
0x89: {  	s3 =	sld [smem:$0x3FFE];
	_ =	sdelay $0x1  }
0x8a: {  	s1 =	srdreg.scid  }
0x8b: {  	s0 =	sand.u32 $0x1, s1  }
0x8c: {  	s17 =	sshll.u32 s0, $0xA;
	s2 =	sadd.s32 s3, s2  }
0x8d: {  	s2 =	sadd.s32 s2, s17  }
0x8e: {  	[smem:$0x3FC2] =	sst s2  }
0x8f: {  	_ = 	snop  }
0x90: {  	s2 =	sld [smem:$0x3FD0];
	(tm) =	ssettm $0x1  }
0x91: {  	s18 =	sld [smem:$0x3FFB];
	_ =	sdelay $0x3  }
0x92: {  	_ =	strace s18  }
0x93: {  	s3 =	sld [smem:$0x3FFC];
	_ =	sdelay $0x3  }
0x94: {  	_ =	strace s3  }
0x95: {  	s3 =	sld [smem:$0x3FFD];
	_ =	sdelay $0x3  }
0x96: {  	_ =	strace s3  }
0x97: {  	_ =	strace $0x8FFFFFFF  }
0x98: {  	s19 =	sld [smem:$0x3FDB];
	_ =	sdelay $0x1  }
0x99: {  	s4 =	simm.s32 $_scs_section_size  }
0x9a: {  	s5 =	simm.s32 $_size__tile_overlayer_lowered;
	s6 =	simm.s32 $_tile_overlayer_lowered  }
0x9b: {  	s22 =	simm.s32 $0x1BFF;
	s21 =	sshll.u32 s6, $0x1;
	s3 =	sadd.s32 s4, s19  }
0x9c: {  	s7 =	simm.s32 $0x0;
	s20 =	sshll.u32 s5, $0x1;
	s5 =	sadd.s32 s21, s3  }
0x9d: {  	[timem:s7], [sflag:s22] =	dma.local [hbm:s5], s20  }
0x9e: {  	_ =	swait.ge [sflag:s22], s20  }
0x9f: {  	s4 =	ssub.s32 $0x0, s20;
	[sflag:s22] =	ssyncset.done $0x0  }
0xa0: {  	[sflag:s22] =	ssyncadd.s32 s4;
	_ =	sdelay $0x1  }
0xa1: {  	s23 =	simm.s32 $0x1B8B  }
0xa2: {  	_ =	swait.ge [sflag:s23], $0x1  }
0xa3: {  	[sflag:s23] =	ssyncset.done $0x0  }
0xa4: {  	s25 =	simm.s32 $0x1B8E;
	s24 =	sld [smem:$0x3FFE];
	[sflag:s23] =	ssyncadd.s32 $0xFFFFFFFF  }
0xa5: {  	s26 =	simm.s32 $execute0_lowered;
	[smem:$0x3FD2] =	sst s25  }
0xa6: {  	s5 =	sshll.u32 s26, $0x1;
	_ =	strace $0x80000046;
	[dreg:$0x1] =	wrdreg $0xFFFFFFFF  }
0xa7: {  	s28 =	simm.s32 $_size_execute0_lowered;
	s3 =	sadd.s32 s3, s5;
	[dreg:$0x0] =	wrdreg $0x0  }
0xa8: {  	s5 =	sshll.u32 s28, $0x1;
	[dreg:$0x2] =	wrdreg s3  }
0xa9: {  	[dreg:$0x3] =	wrdreg s5  }
0xaa: {  	[dreg:$0x4] =	wrdreg $0xC0  }
0xab: {  	_ =	task [dreg:s7], $0x5FFFF  }
0xac: {  	[dreg:$0x1] =	wrdreg $0xFFFFFFFF  }
0xad: {  	[dreg:$0x0] =	wrdreg $0x60  }
0xae: {  	[dreg:$0x2] =	wrdreg s24  }
0xaf: {  	[dreg:$0x3] =	wrdreg s2  }
0xb0: {  	[dreg:$0x4] =	wrdreg $0x2FD00  }
0xb1: {  	[dreg:$0x5] =	wrdreg $0x9  }
0xb2: {  	_ =	task.clear_ibuf [dreg:s7], $0x6FFFF;
	_ =	strace $0x90000046  }
0xb3: {  	s29 =	simm.s32 $0x9;
	_ =	strace $0x80000048  }
0xb4: {  	_ =	swait.ge [sflag:s29], $0x1  }
0xb5: {  	[sflag:s29] =	ssyncadd.s32 $0xFFFFFFFF  }
0xb6: {  	_ =	strace $0x90000048  }
0xb7: {  	_ =	sfence  }
0xb8: {  	s30 =	sld [smem:$0x0];
	_ =	sdelay $0x2  }
0xb9: {  	s31 =	sshll.u32 s1, $0xD;
	s1 =	sshrl.u32 s1, $0x2  }
0xba: {  	s3 =	sand.u32 $0x4000, s31;
	s1 =	sadd.s32 s1, s30  }
0xbb: {  	s0 =	sor.u32 s3, s0;
	s1 =	sshll.u32 s1, $0x11  }
0xbc: {  	s0 =	sor.u32 s1, s0  }
0xbd: {  	s0 =	sadd.s32 $0x8F2B, s0  }
0xbe: {  	[sflag:s0] =	ssyncadd.remote.s32 $0x1  }
0xbf: {  	_ =	sfence.sel $0xFFFF  }
0xc0: {  	[dreg:$0x0] =	wrdreg $0xFFFFFFFF;
	(pc) =	sbr.abs _section_cstart, $3  }
0xc1: {  	[dreg:$0x1] =	wrdreg $0xFFFFFFFF  }
0xc2: {  	_ =	task.clear_ibuf [dreg:s7], $0x2FFFF;
	_ =	strace $0x9FFFFFFF  }
0xc3: {  	(tm) =	ssettm $0x7FFFFFFF  }
tec
execute0_lowered:
.L_overlay_start_1:
0x0: {  	(tag) =	ssettag $0x1  }
0x1: {  	s5 =	rddreg [dreg:$0x0];
	s1 =	srdreg.scid  }
0x2: {  	s0 =	stileid.u32;
	s8 =	rddreg [dreg:$0x1]  }
0x3: {  	s2 =	rddreg [dreg:$0x2];
	s3 =	simm.s32 $0x0;
	s13 =	simm.s32 $0x7D  }
0x4: {  	s14 =	simm.s32 $0x0;
	s4 =	sand.u32 $0x1, s1;
	s1 =	rddreg [dreg:$0x3]  }
0x5: {  	s26 =	sshll.u32 s0, $0x1;
	[smem:$0x7FF] =	sst s3;
	s7 =	smul.u32 $0x2780, s0  }
0x6: {  	s31 =	sshll.u32 s0, $0x6;
	s6 =	sor.u32 s4, s26;
	_ =	strace $0x80000047  }
0x7: {  	s9 =	ssub.s32 $0x2, s4;
	s10 =	smul.u32 $0x27800, s4;
	s4 =	sadd.s32 $0xC000, s5  }
0x8: {  	s6 =	smul.u32 $0x500, s6;
	s28 =	sshrl.u32 s9, $0x1;
	s30 =	sadd.s32 s7, s2  }
0x9: {  	s9 =	ssub.s32 s9, s28;
	s29 =	sadd.s32 s7, s10;
	s10 =	sshrl.u32 s30, $0x3  }
0xa: {  	s11 =	sadd.s32 s6, s5;
	s5 =	sadd.s32 $0xBA00, s5;
	s12 =	sshrl.u32 s29, $0x3  }
0xb: {  	s6 =	sor.u32 $0x1C01, s31;
	s9 =	smax.u32 s9, $0x1;
	s7 =	sadd.s32 $0x1A00, s11  }
0xc: {  	s8 =	sadd.s32 s8, s12;
	s11 =	simm.s32 $0x1;
	s12 =	simm.s32 $0x2800  }
.LBB2_1:
0xd: {  	[spmem:s10], [sflag:s6] =	dma.local [hbm:s5], $0x4F0  }
0xe: {  	_ =	swait.ge [sflag:s11], $0x4F0  }
0xf: {  	[sflag:s11] =	ssyncset.done $0x0  }
0x10: {  	[sflag:s11] =	ssyncadd.s32 $0xFFFFFB10  }
0x11: {  	[tilespmem:s3], [sflag:$0x1] =	stream.linear.gather [hbm4b:s7+s3], $0x2800, $0x38;
	[tilespmem:$0x5750] =	vst v63  }
0x12: {  	_ =	swait.ge [sflag:s11], $0x2800  }
0x13: {  	[sflag:s11] =	ssyncset.done $0x0  }
0x14: {  	[sflag:s11] =	ssyncadd.s32 $0xFFFFD800  }
0x15: {  	[tilespmem:s12], [sflag:$0x1] =	stream.linear.gather [hbm4b:s4+s3], $0x7D0, $0x38;
	[tilespmem:$0x5750] =	vst v63  }
0x16: {  	_ =	swait.ge [sflag:s11], $0x7D0  }
0x17: {  	[sflag:s11] =	ssyncset.done $0x0  }
0x18: {  	[sflag:s11] =	ssyncadd.s32 $0xFFFFF830  }
0x19: {  	s15 =	simm.s32 $0x0;
	[bflag:$0x0] =	sbarrier.arrive $0xFFFF  }
0x1a: {  	[spmem:s2] =	stream.indirect.scatter.add.f32 [tilespmem:s12], [sflag:$0x1], $0x10, s15, s13, $0xb8;
	[tilespmem:$0x5750] =	vst v63  }
0x1b: {  	_ =	swait.ge [sflag:s11], $0x7D0  }
0x1c: {  	s15 =	simm.s32 $0x200;
	[sflag:s11] =	ssyncset.done $0x0  }
.LBB2_2:
0x1d: {  	s16 =	sshra.s32 s15, $0x2;
	[sflag:s11] =	ssyncadd.s32 $0xFFFFF830;
	p0 =	sne.s32 s15, $0x9E00  }
0x1e: {  	[spmem:s2] =	stream.indirect.scatter.add.f32 [tilespmem:s12], [sflag:$0x1], $0x10, s16, s13, $0xb8;
	[tilespmem:$0x5750] =	vst v63  }
.Ltmp0:
0x1f: {  	_ = 	snop;
	(pc) =	sbr.rel @p0 .LBB2_2-.Ltmp0, $4  }
0x20: {  	_ = 	snop  }
0x21: {  	s15 =	sadd.s32 $0x200, s15  }
0x22: {  	_ =	swait.ge [sflag:s11], $0x7D0  }
0x23: {  	[sflag:s11] =	ssyncset.done $0x0  }
0x24: {  	s14 =	sadd.s32 $0x1, s14  }
0x25: {  	[sflag:s11] =	ssyncadd.s32 $0xFFFFF830;
	p0 =	sne.s32 s14, s9  }
.Ltmp1:
0x26: {  	[bflag:$0x0] =	sbarrier.arrive $0xFFFF;
	(pc) =	sbr.rel @p0 .LBB2_1-.Ltmp1, $4  }
0x27: {  	[hbm:s8], [sflag:s6] =	dma.local [spmem:s10], $0x4F0  }
0x28: {  	_ =	swait.ge [sflag:s11], $0x4F0  }
0x29: {  	[sflag:s11] =	ssyncset.done $0x0  }
0x2a: {  	[sflag:s11] =	ssyncadd.s32 $0xFFFFFB10  }
0x2b: {  	_ =	sfence.sel $0x180000  }
0x2c: {  	[bflag:$0x0] =	sbarrier.arrive $0xFFFF  }
0x2d: {  	p0 =	sne.s32 s0, $0x0;
	_ =	strace $0x90000047  }
0x2e: {  	s0 =	sadd.s32 @!p0 $0x100000, s1;
	[bflag:$0x2] =	sbarrier.arrive $0xFFFF  }
0x2f: {  	[sflag:s0] =	ssyncadd.tile.s32 @!p0 $0x1;
	_ =	shalt  }
.Lfunc_end2:
_tile_overlayer_lowered:
.L_overlay_start_2:
0x30: {  	(tag) =	ssettag $0x2  }
0x31: {  	s0 =	rddreg [dreg:$0x0];
	s2 =	stileid.u32  }
0x32: {  	s1 =	rddreg [dreg:$0x1];
	p0 =	sne.s32 s2, $0x0  }
0x33: {  	s3 =	rddreg [dreg:$0x2];
	[bflag:$0x3] =	sbarrier.arrive $0xFFFF;
	s2 =	simm.s32 @!p0 $0x1C01  }
0x34: {  	[timem:s3], [sflag:s2] =	dma.local @!p0 [hbm:s0], s1  }
0x35: {  	s0 =	simm.s32 @!p0 $0x1  }
0x36: {  	_ =	swait.ge @!p0 [sflag:s0], s1  }
0x37: {  	s1 =	ssub.s32 @!p0 $0x0, s1;
	[sflag:s0] =	ssyncset.done @!p0 $0x0  }
0x38: {  	[sflag:s0] =	ssyncadd.s32 @!p0 s1  }
0x39: {  	[bflag:$0x3] =	sbarrier.arrive $0xFFFF  }
0x3a: {  	_ =	shalt  }

</sc_bundles>
